<compile_context>
chip_gen: v7x
topology: tpu7x:2x2x1
jax: 0.10.2.dev20260603
libtpu: 0.0.44.dev20260713+nightly
codegen_flags: <defaults>
</compile_context>

<pallas_src>
import functools

import jax
import jax.numpy as jnp
from jax import lax
from jax.experimental import pallas as pl
from jax.experimental.pallas import tpu as pltpu
from jax.experimental.pallas import tpu_sc as plsc

BATCH = 16384
EMB = 32
NC = 2
NS = 16
NW = NC * NS
B_PER_W = BATCH // NW
CHUNK = 128
CHUNKS = B_PER_W // CHUNK
GROUPS = B_PER_W // 16
GROUPS_PER_CHUNK = CHUNK // 16


def _mf_body(uid_hbm, iid_hbm, uemb_hbm, iemb_hbm, ubias_hbm, ibias_hbm,
             gb_hbm, out_hbm,
             uid_v, iid_v, urows_v, irows_v, ubias_v, ibias_v, gb_v, out_v,
             sem):
    wid = lax.axis_index("s") * NC + lax.axis_index("c")
    rbase = wid * CHUNKS

    pltpu.sync_copy(uid_hbm.at[pl.ds(rbase, CHUNKS)], uid_v)
    pltpu.sync_copy(iid_hbm.at[pl.ds(rbase, CHUNKS)], iid_v)
    pltpu.sync_copy(gb_hbm, gb_v)
    gb = gb_v[...]

    copies = []
    for j in range(CHUNKS):
        copies.append(pltpu.async_copy(uemb_hbm.at[uid_v.at[j]], urows_v.at[j], sem))
        copies.append(pltpu.async_copy(iemb_hbm.at[iid_v.at[j]], irows_v.at[j], sem))
        copies.append(pltpu.async_copy(ubias_hbm.at[uid_v.at[j]], ubias_v.at[j], sem))
        copies.append(pltpu.async_copy(ibias_hbm.at[iid_v.at[j]], ibias_v.at[j], sem))
    for cp in copies:
        cp.wait()

    def group(g, carry):
        chunk = g // GROUPS_PER_CHUNK
        row0 = (g % GROUPS_PER_CHUNK) * 16
        rows = lax.iota(jnp.int32, 16) + row0
        csplat = jnp.full((16,), chunk, jnp.int32)
        acc = (plsc.load_gather(ubias_v, [csplat, rows])
               + plsc.load_gather(ibias_v, [csplat, rows]))
        for c in range(EMB):
            cidx = jnp.full((16,), c, jnp.int32)
            u = plsc.load_gather(urows_v, [csplat, rows, cidx])
            v = plsc.load_gather(irows_v, [csplat, rows, cidx])
            acc = acc + u * v
        acc = acc + gb
        pred = 5.0 / (1.0 + jnp.exp(-2.0 * acc))
        out_v[pl.ds(g * 16, 16)] = pred
        return carry

    lax.fori_loop(0, GROUPS, group, 0)
    pltpu.sync_copy(out_v, out_hbm.at[pl.ds(wid * B_PER_W, B_PER_W)])


@jax.jit
def _mf(uid2d, iid2d, uemb, iemb, ubias, ibias, gb):
    mesh = plsc.VectorSubcoreMesh(core_axis_name="c", subcore_axis_name="s")
    f = pl.kernel(
        _mf_body,
        out_type=jax.ShapeDtypeStruct((BATCH,), jnp.float32),
        mesh=mesh,
        compiler_params=pltpu.CompilerParams(needs_layout_passes=False,
                                             use_tc_tiling_on_sc=False),
        scratch_types=[
            pltpu.VMEM((CHUNKS, CHUNK), jnp.int32),
            pltpu.VMEM((CHUNKS, CHUNK), jnp.int32),
            pltpu.VMEM((CHUNKS, CHUNK, EMB), jnp.float32),
            pltpu.VMEM((CHUNKS, CHUNK, EMB), jnp.float32),
            pltpu.VMEM((CHUNKS, CHUNK), jnp.float32),
            pltpu.VMEM((CHUNKS, CHUNK), jnp.float32),
            pltpu.VMEM((16,), jnp.float32),
            pltpu.VMEM((B_PER_W,), jnp.float32),
            pltpu.SemaphoreType.DMA,
        ],
    )
    return f(uid2d, iid2d, uemb, iemb, ubias, ibias, gb)


def kernel(user_ids, item_ids, user_emb_table, item_emb_table,
           user_bias_table, item_bias_table, global_bias):
    uid2d = jnp.reshape(user_ids.astype(jnp.int32), (NW * CHUNKS, CHUNK))
    iid2d = jnp.reshape(item_ids.astype(jnp.int32), (NW * CHUNKS, CHUNK))
    gb16 = jnp.tile(global_bias.astype(jnp.float32), 16)
    return _mf(uid2d, iid2d, user_emb_table, item_emb_table,
               jnp.reshape(user_bias_table, (-1,)),
               jnp.reshape(item_bias_table, (-1,)), gb16)

# --- scband reference (transcript-rebuilt; emitter-appended) ---
"""Pipeline reference for scband-matrix-factorization-45518063403679 (READ-ONLY COPY).

The authoritative reference and input builder live on the scoring server;
editing this copy changes nothing except your own understanding.
"""

import jax, jax.numpy as jnp
import numpy as np

USER_NUM = 1000000
ITEM_NUM = 1000000
EMB = 32
BATCH = 16384

def setup_inputs(seed: int = 0) -> dict:
    key = jax.random.key(seed)
    k1, k2, k3, k4, k5, k6 = jax.random.split(key, 6)
    user_ids = jax.random.randint(k1, (BATCH,), 0, USER_NUM, dtype=jnp.int64) if jax.config.jax_enable_x64 else jax.random.randint(k1, (BATCH,), 0, USER_NUM, dtype=jnp.int32)
    item_ids = jax.random.randint(k2, (BATCH,), 0, ITEM_NUM, dtype=jnp.int32)
    user_emb_table = jax.random.normal(k3, (USER_NUM, EMB), dtype=jnp.float32) * 0.1
    item_emb_table = jax.random.normal(k4, (ITEM_NUM, EMB), dtype=jnp.float32) * 0.1
    user_bias_table = jax.random.normal(k5, (USER_NUM, 1), dtype=jnp.float32) * 0.1
    item_bias_table = jax.random.normal(k6, (ITEM_NUM, 1), dtype=jnp.float32) * 0.1
    global_bias = jnp.zeros((1,), dtype=jnp.float32)
    return {
        "user_ids": user_ids,
        "item_ids": item_ids,
        "user_emb_table": user_emb_table,
        "item_emb_table": item_emb_table,
        "user_bias_table": user_bias_table,
        "item_bias_table": item_bias_table,
        "global_bias": global_bias,
    }

def reference(user_ids, item_ids, user_emb_table, item_emb_table, user_bias_table, item_bias_table, global_bias):
    user_emb = jnp.take(user_emb_table, user_ids, axis=0)
    item_emb = jnp.take(item_emb_table, item_ids, axis=0)
    user_bias = jnp.take(user_bias_table, user_ids, axis=0).squeeze(-1)
    item_bias = jnp.take(item_bias_table, item_ids, axis=0).squeeze(-1)
    prediction = jnp.sum(user_emb * item_emb, axis=1) + user_bias + item_bias + global_bias[0]
    prediction = (jnp.tanh(prediction) + 1.0) * 2.5
    return prediction

if __name__ == "__main__":
    import jax
    _d = setup_inputs()
    print(jax.jit(kernel)(*tuple(_d.values())))

</pallas_src>

<mosaic_0001>
#map = affine_map<(d0, d1) -> (0, 0)>
#map1 = affine_map<(d0, d1) -> (0)>
module attributes {stable_mosaic.version = 14 : i64} {
  func.func @_mf_body(%arg0: i32, %arg1: i32, %arg2: memref<128x128xi32, #tpu.memory_space<hbm>>, %arg3: memref<128x128xi32, #tpu.memory_space<hbm>>, %arg4: memref<1000000x32xf32, #tpu.memory_space<hbm>>, %arg5: memref<1000000x32xf32, #tpu.memory_space<hbm>>, %arg6: memref<1000000xf32, #tpu.memory_space<hbm>>, %arg7: memref<1000000xf32, #tpu.memory_space<hbm>>, %arg8: memref<16xf32, #tpu.memory_space<hbm>>, %arg9: memref<16384xf32, #tpu.memory_space<hbm>>, %arg10: memref<4x128xi32, #tpu.memory_space<vmem>>, %arg11: memref<4x128xi32, #tpu.memory_space<vmem>>, %arg12: memref<4x128x32xf32, #tpu.memory_space<vmem>>, %arg13: memref<4x128x32xf32, #tpu.memory_space<vmem>>, %arg14: memref<4x128xf32, #tpu.memory_space<vmem>>, %arg15: memref<4x128xf32, #tpu.memory_space<vmem>>, %arg16: memref<16xf32, #tpu.memory_space<vmem>>, %arg17: memref<512xf32, #tpu.memory_space<vmem>>, %arg18: memref<!tpu.dma_semaphore, #tpu.memory_space<semaphore_mem>>) attributes {dimension_semantics = [#tpu.dimension_semantics<core_parallel>, #tpu.dimension_semantics<subcore_parallel>], iteration_bounds = array<i64: 2, 16>, scalar_prefetch = 0 : i64, scratch_operands = 9 : i64, tpu.core_type = #tpu.core_type<sc_vector_subcore>, window_params = [{transform_indices = #map}, {transform_indices = #map}, {transform_indices = #map}, {transform_indices = #map}, {transform_indices = #map1}, {transform_indices = #map1}, {transform_indices = #map1}, {transform_indices = #map1}]} {
    %mul3A = arith.constant 2 : i32
    %mul3A_0 = arith.muli %arg1, %mul3A : i32
    %add3A = arith.addi %mul3A_0, %arg0 : i32
    %mul3A_1 = arith.constant 4 : i32
    %mul3A_2 = arith.muli %add3A, %mul3A_1 : i32
    "tpu.region"() ({
      %run_scoped3A = tpu.sem_alloc : memref<!tpu.dma_semaphore, #tpu.memory_space<semaphore_mem>>
      %dma_start3A_361 = arith.constant 0 : i32
      %dma_start3A_362 = tpu.memref_slice %arg2[%mul3A_2, %dma_start3A_361] : memref<128x128xi32, #tpu.memory_space<hbm>> -> memref<4x128xi32, #tpu.memory_space<hbm>>
      %dma_start3A_363 = arith.constant 0 : i32
      %dma_start3A_364 = tpu.memref_slice %arg2[%mul3A_2, %dma_start3A_363] : memref<128x128xi32, #tpu.memory_space<hbm>> -> memref<4x128xi32, #tpu.memory_space<hbm>>
      tpu.enqueue_dma source(%dma_start3A_364 : memref<4x128xi32, #tpu.memory_space<hbm>>) target(%arg10 : memref<4x128xi32, #tpu.memory_space<vmem>>) target_semaphore(%run_scoped3A : memref<!tpu.dma_semaphore, #tpu.memory_space<semaphore_mem>>)
      %dma_wait3A_365 = arith.constant 0 : i32
      %dma_wait3A_366 = tpu.memref_slice %arg2[%mul3A_2, %dma_wait3A_365] : memref<128x128xi32, #tpu.memory_space<hbm>> -> memref<4x128xi32, #tpu.memory_space<hbm>>
      %dma_wait3A_367 = arith.constant 0 : i32
      %dma_wait3A_368 = tpu.memref_slice %arg2[%mul3A_2, %dma_wait3A_367] : memref<128x128xi32, #tpu.memory_space<hbm>> -> memref<4x128xi32, #tpu.memory_space<hbm>>
      tpu.wait_dma2 semaphore(%run_scoped3A : memref<!tpu.dma_semaphore, #tpu.memory_space<semaphore_mem>>) src(%dma_wait3A_368 : memref<4x128xi32, #tpu.memory_space<hbm>>) dst(%arg10 : memref<4x128xi32, #tpu.memory_space<vmem>>)
      tpu.yield
    }) : () -> ()
    "tpu.region"() ({
      %run_scoped3A = tpu.sem_alloc : memref<!tpu.dma_semaphore, #tpu.memory_space<semaphore_mem>>
      %dma_start3A_361 = arith.constant 0 : i32
      %dma_start3A_362 = tpu.memref_slice %arg3[%mul3A_2, %dma_start3A_361] : memref<128x128xi32, #tpu.memory_space<hbm>> -> memref<4x128xi32, #tpu.memory_space<hbm>>
      %dma_start3A_363 = arith.constant 0 : i32
      %dma_start3A_364 = tpu.memref_slice %arg3[%mul3A_2, %dma_start3A_363] : memref<128x128xi32, #tpu.memory_space<hbm>> -> memref<4x128xi32, #tpu.memory_space<hbm>>
      tpu.enqueue_dma source(%dma_start3A_364 : memref<4x128xi32, #tpu.memory_space<hbm>>) target(%arg11 : memref<4x128xi32, #tpu.memory_space<vmem>>) target_semaphore(%run_scoped3A : memref<!tpu.dma_semaphore, #tpu.memory_space<semaphore_mem>>)
      %dma_wait3A_365 = arith.constant 0 : i32
      %dma_wait3A_366 = tpu.memref_slice %arg3[%mul3A_2, %dma_wait3A_365] : memref<128x128xi32, #tpu.memory_space<hbm>> -> memref<4x128xi32, #tpu.memory_space<hbm>>
      %dma_wait3A_367 = arith.constant 0 : i32
      %dma_wait3A_368 = tpu.memref_slice %arg3[%mul3A_2, %dma_wait3A_367] : memref<128x128xi32, #tpu.memory_space<hbm>> -> memref<4x128xi32, #tpu.memory_space<hbm>>
      tpu.wait_dma2 semaphore(%run_scoped3A : memref<!tpu.dma_semaphore, #tpu.memory_space<semaphore_mem>>) src(%dma_wait3A_368 : memref<4x128xi32, #tpu.memory_space<hbm>>) dst(%arg11 : memref<4x128xi32, #tpu.memory_space<vmem>>)
      tpu.yield
    }) : () -> ()
    "tpu.region"() ({
      %run_scoped3A = tpu.sem_alloc : memref<!tpu.dma_semaphore, #tpu.memory_space<semaphore_mem>>
      tpu.enqueue_dma source(%arg8 : memref<16xf32, #tpu.memory_space<hbm>>) target(%arg16 : memref<16xf32, #tpu.memory_space<vmem>>) target_semaphore(%run_scoped3A : memref<!tpu.dma_semaphore, #tpu.memory_space<semaphore_mem>>)
      tpu.wait_dma2 semaphore(%run_scoped3A : memref<!tpu.dma_semaphore, #tpu.memory_space<semaphore_mem>>) src(%arg8 : memref<16xf32, #tpu.memory_space<hbm>>) dst(%arg16 : memref<16xf32, #tpu.memory_space<vmem>>)
      tpu.yield
    }) : () -> ()
    %get3A = arith.constant 0 : index
    %get3A_3 = tpu.vector_load %arg16[%get3A] {strides = array<i32>} : memref<16xf32, #tpu.memory_space<vmem>>, vector<16xf32>,
    %dma_start3A = arith.constant 0 : i32
    %dma_start3A_4 = arith.constant 0 : i32
    %dma_start3A_5 = arith.constant 0 : i32
    %dma_start3A_6 = arith.constant 0 : i32
    %dma_start3A_7 = tpu.memref_slice %arg12[%dma_start3A_4, %dma_start3A_5, %dma_start3A_6] : memref<4x128x32xf32, #tpu.memory_space<vmem>> -> memref<1x128x32xf32, #tpu.memory_space<vmem>>
    %dma_start3A_8 = tpu.memref_squeeze %dma_start3A_7 : memref<1x128x32xf32, #tpu.memory_space<vmem>> -> memref<128x32xf32, #tpu.memory_space<vmem>>
    %dma_start3A_9 = arith.constant 0 : i32
    %dma_start3A_10 = tpu.memref_slice %arg10[%dma_start3A, %dma_start3A_9] : memref<4x128xi32, #tpu.memory_space<vmem>> -> memref<1x128xi32, #tpu.memory_space<vmem>>
    %dma_start3A_11 = tpu.memref_squeeze %dma_start3A_10 : memref<1x128xi32, #tpu.memory_space<vmem>> -> memref<128xi32, #tpu.memory_space<vmem>>
    %dma_start3A_12 = arith.constant 0 : i32
    %dma_start3A_13 = arith.constant 0 : i32
    %dma_start3A_14 = tpu.memref_slice %arg4[%dma_start3A_12, %dma_start3A_13] : memref<1000000x32xf32, #tpu.memory_space<hbm>> -> memref<1000000x32xf32, #tpu.memory_space<hbm>>
    tpu.enqueue_indirect_dma source(%dma_start3A_14 : memref<1000000x32xf32, #tpu.memory_space<hbm>>) target(%dma_start3A_8 : memref<128x32xf32, #tpu.memory_space<vmem>>) offsets(%dma_start3A_11 : memref<128xi32, #tpu.memory_space<vmem>>) semaphore(%arg18 : memref<!tpu.dma_semaphore, #tpu.memory_space<semaphore_mem>>)
    %dma_start3A_15 = arith.constant 0 : i32
    %dma_start3A_16 = arith.constant 0 : i32
    %dma_start3A_17 = arith.constant 0 : i32
    %dma_start3A_18 = arith.constant 0 : i32
    %dma_start3A_19 = tpu.memref_slice %arg13[%dma_start3A_16, %dma_start3A_17, %dma_start3A_18] : memref<4x128x32xf32, #tpu.memory_space<vmem>> -> memref<1x128x32xf32, #tpu.memory_space<vmem>>
    %dma_start3A_20 = tpu.memref_squeeze %dma_start3A_19 : memref<1x128x32xf32, #tpu.memory_space<vmem>> -> memref<128x32xf32, #tpu.memory_space<vmem>>
    %dma_start3A_21 = arith.constant 0 : i32
    %dma_start3A_22 = tpu.memref_slice %arg11[%dma_start3A_15, %dma_start3A_21] : memref<4x128xi32, #tpu.memory_space<vmem>> -> memref<1x128xi32, #tpu.memory_space<vmem>>
    %dma_start3A_23 = tpu.memref_squeeze %dma_start3A_22 : memref<1x128xi32, #tpu.memory_space<vmem>> -> memref<128xi32, #tpu.memory_space<vmem>>
    %dma_start3A_24 = arith.constant 0 : i32
    %dma_start3A_25 = arith.constant 0 : i32
    %dma_start3A_26 = tpu.memref_slice %arg5[%dma_start3A_24, %dma_start3A_25] : memref<1000000x32xf32, #tpu.memory_space<hbm>> -> memref<1000000x32xf32, #tpu.memory_space<hbm>>
    tpu.enqueue_indirect_dma source(%dma_start3A_26 : memref<1000000x32xf32, #tpu.memory_space<hbm>>) target(%dma_start3A_20 : memref<128x32xf32, #tpu.memory_space<vmem>>) offsets(%dma_start3A_23 : memref<128xi32, #tpu.memory_space<vmem>>) semaphore(%arg18 : memref<!tpu.dma_semaphore, #tpu.memory_space<semaphore_mem>>)
    %dma_start3A_27 = arith.constant 0 : i32
    %dma_start3A_28 = arith.constant 0 : i32
    %dma_start3A_29 = arith.constant 0 : i32
    %dma_start3A_30 = tpu.memref_slice %arg14[%dma_start3A_28, %dma_start3A_29] : memref<4x128xf32, #tpu.memory_space<vmem>> -> memref<1x128xf32, #tpu.memory_space<vmem>>
    %dma_start3A_31 = tpu.memref_squeeze %dma_start3A_30 : memref<1x128xf32, #tpu.memory_space<vmem>> -> memref<128xf32, #tpu.memory_space<vmem>>
    %dma_start3A_32 = arith.constant 0 : i32
    %dma_start3A_33 = tpu.memref_slice %arg10[%dma_start3A_27, %dma_start3A_32] : memref<4x128xi32, #tpu.memory_space<vmem>> -> memref<1x128xi32, #tpu.memory_space<vmem>>
    %dma_start3A_34 = tpu.memref_squeeze %dma_start3A_33 : memref<1x128xi32, #tpu.memory_space<vmem>> -> memref<128xi32, #tpu.memory_space<vmem>>
    %dma_start3A_35 = arith.constant 0 : i32
    %dma_start3A_36 = tpu.memref_slice %arg6[%dma_start3A_35] : memref<1000000xf32, #tpu.memory_space<hbm>> -> memref<1000000xf32, #tpu.memory_space<hbm>>
    tpu.enqueue_indirect_dma source(%dma_start3A_36 : memref<1000000xf32, #tpu.memory_space<hbm>>) target(%dma_start3A_31 : memref<128xf32, #tpu.memory_space<vmem>>) offsets(%dma_start3A_34 : memref<128xi32, #tpu.memory_space<vmem>>) semaphore(%arg18 : memref<!tpu.dma_semaphore, #tpu.memory_space<semaphore_mem>>)
    %dma_start3A_37 = arith.constant 0 : i32
    %dma_start3A_38 = arith.constant 0 : i32
    %dma_start3A_39 = arith.constant 0 : i32
    %dma_start3A_40 = tpu.memref_slice %arg15[%dma_start3A_38, %dma_start3A_39] : memref<4x128xf32, #tpu.memory_space<vmem>> -> memref<1x128xf32, #tpu.memory_space<vmem>>
    %dma_start3A_41 = tpu.memref_squeeze %dma_start3A_40 : memref<1x128xf32, #tpu.memory_space<vmem>> -> memref<128xf32, #tpu.memory_space<vmem>>
    %dma_start3A_42 = arith.constant 0 : i32
    %dma_start3A_43 = tpu.memref_slice %arg11[%dma_start3A_37, %dma_start3A_42] : memref<4x128xi32, #tpu.memory_space<vmem>> -> memref<1x128xi32, #tpu.memory_space<vmem>>
    %dma_start3A_44 = tpu.memref_squeeze %dma_start3A_43 : memref<1x128xi32, #tpu.memory_space<vmem>> -> memref<128xi32, #tpu.memory_space<vmem>>
    %dma_start3A_45 = arith.constant 0 : i32
    %dma_start3A_46 = tpu.memref_slice %arg7[%dma_start3A_45] : memref<1000000xf32, #tpu.memory_space<hbm>> -> memref<1000000xf32, #tpu.memory_space<hbm>>
    tpu.enqueue_indirect_dma source(%dma_start3A_46 : memref<1000000xf32, #tpu.memory_space<hbm>>) target(%dma_start3A_41 : memref<128xf32, #tpu.memory_space<vmem>>) offsets(%dma_start3A_44 : memref<128xi32, #tpu.memory_space<vmem>>) semaphore(%arg18 : memref<!tpu.dma_semaphore, #tpu.memory_space<semaphore_mem>>)
    %dma_start3A_47 = arith.constant 1 : i32
    %dma_start3A_48 = arith.constant 1 : i32
    %dma_start3A_49 = arith.constant 0 : i32
    %dma_start3A_50 = arith.constant 0 : i32
    %dma_start3A_51 = tpu.memref_slice %arg12[%dma_start3A_48, %dma_start3A_49, %dma_start3A_50] : memref<4x128x32xf32, #tpu.memory_space<vmem>> -> memref<1x128x32xf32, #tpu.memory_space<vmem>>
    %dma_start3A_52 = tpu.memref_squeeze %dma_start3A_51 : memref<1x128x32xf32, #tpu.memory_space<vmem>> -> memref<128x32xf32, #tpu.memory_space<vmem>>
    %dma_start3A_53 = arith.constant 0 : i32
    %dma_start3A_54 = tpu.memref_slice %arg10[%dma_start3A_47, %dma_start3A_53] : memref<4x128xi32, #tpu.memory_space<vmem>> -> memref<1x128xi32, #tpu.memory_space<vmem>>
    %dma_start3A_55 = tpu.memref_squeeze %dma_start3A_54 : memref<1x128xi32, #tpu.memory_space<vmem>> -> memref<128xi32, #tpu.memory_space<vmem>>
    %dma_start3A_56 = arith.constant 0 : i32
    %dma_start3A_57 = arith.constant 0 : i32
    %dma_start3A_58 = tpu.memref_slice %arg4[%dma_start3A_56, %dma_start3A_57] : memref<1000000x32xf32, #tpu.memory_space<hbm>> -> memref<1000000x32xf32, #tpu.memory_space<hbm>>
    tpu.enqueue_indirect_dma source(%dma_start3A_58 : memref<1000000x32xf32, #tpu.memory_space<hbm>>) target(%dma_start3A_52 : memref<128x32xf32, #tpu.memory_space<vmem>>) offsets(%dma_start3A_55 : memref<128xi32, #tpu.memory_space<vmem>>) semaphore(%arg18 : memref<!tpu.dma_semaphore, #tpu.memory_space<semaphore_mem>>)
    %dma_start3A_59 = arith.constant 1 : i32
    %dma_start3A_60 = arith.constant 1 : i32
    %dma_start3A_61 = arith.constant 0 : i32
    %dma_start3A_62 = arith.constant 0 : i32
    %dma_start3A_63 = tpu.memref_slice %arg13[%dma_start3A_60, %dma_start3A_61, %dma_start3A_62] : memref<4x128x32xf32, #tpu.memory_space<vmem>> -> memref<1x128x32xf32, #tpu.memory_space<vmem>>
    %dma_start3A_64 = tpu.memref_squeeze %dma_start3A_63 : memref<1x128x32xf32, #tpu.memory_space<vmem>> -> memref<128x32xf32, #tpu.memory_space<vmem>>
    %dma_start3A_65 = arith.constant 0 : i32
    %dma_start3A_66 = tpu.memref_slice %arg11[%dma_start3A_59, %dma_start3A_65] : memref<4x128xi32, #tpu.memory_space<vmem>> -> memref<1x128xi32, #tpu.memory_space<vmem>>
    %dma_start3A_67 = tpu.memref_squeeze %dma_start3A_66 : memref<1x128xi32, #tpu.memory_space<vmem>> -> memref<128xi32, #tpu.memory_space<vmem>>
    %dma_start3A_68 = arith.constant 0 : i32
    %dma_start3A_69 = arith.constant 0 : i32
    %dma_start3A_70 = tpu.memref_slice %arg5[%dma_start3A_68, %dma_start3A_69] : memref<1000000x32xf32, #tpu.memory_space<hbm>> -> memref<1000000x32xf32, #tpu.memory_space<hbm>>
    tpu.enqueue_indirect_dma source(%dma_start3A_70 : memref<1000000x32xf32, #tpu.memory_space<hbm>>) target(%dma_start3A_64 : memref<128x32xf32, #tpu.memory_space<vmem>>) offsets(%dma_start3A_67 : memref<128xi32, #tpu.memory_space<vmem>>) semaphore(%arg18 : memref<!tpu.dma_semaphore, #tpu.memory_space<semaphore_mem>>)
    %dma_start3A_71 = arith.constant 1 : i32
    %dma_start3A_72 = arith.constant 1 : i32
    %dma_start3A_73 = arith.constant 0 : i32
    %dma_start3A_74 = tpu.memref_slice %arg14[%dma_start3A_72, %dma_start3A_73] : memref<4x128xf32, #tpu.memory_space<vmem>> -> memref<1x128xf32, #tpu.memory_space<vmem>>
    %dma_start3A_75 = tpu.memref_squeeze %dma_start3A_74 : memref<1x128xf32, #tpu.memory_space<vmem>> -> memref<128xf32, #tpu.memory_space<vmem>>
    %dma_start3A_76 = arith.constant 0 : i32
    %dma_start3A_77 = tpu.memref_slice %arg10[%dma_start3A_71, %dma_start3A_76] : memref<4x128xi32, #tpu.memory_space<vmem>> -> memref<1x128xi32, #tpu.memory_space<vmem>>
    %dma_start3A_78 = tpu.memref_squeeze %dma_start3A_77 : memref<1x128xi32, #tpu.memory_space<vmem>> -> memref<128xi32, #tpu.memory_space<vmem>>
    %dma_start3A_79 = arith.constant 0 : i32
    %dma_start3A_80 = tpu.memref_slice %arg6[%dma_start3A_79] : memref<1000000xf32, #tpu.memory_space<hbm>> -> memref<1000000xf32, #tpu.memory_space<hbm>>
    tpu.enqueue_indirect_dma source(%dma_start3A_80 : memref<1000000xf32, #tpu.memory_space<hbm>>) target(%dma_start3A_75 : memref<128xf32, #tpu.memory_space<vmem>>) offsets(%dma_start3A_78 : memref<128xi32, #tpu.memory_space<vmem>>) semaphore(%arg18 : memref<!tpu.dma_semaphore, #tpu.memory_space<semaphore_mem>>)
    %dma_start3A_81 = arith.constant 1 : i32
    %dma_start3A_82 = arith.constant 1 : i32
    %dma_start3A_83 = arith.constant 0 : i32
    %dma_start3A_84 = tpu.memref_slice %arg15[%dma_start3A_82, %dma_start3A_83] : memref<4x128xf32, #tpu.memory_space<vmem>> -> memref<1x128xf32, #tpu.memory_space<vmem>>
    %dma_start3A_85 = tpu.memref_squeeze %dma_start3A_84 : memref<1x128xf32, #tpu.memory_space<vmem>> -> memref<128xf32, #tpu.memory_space<vmem>>
    %dma_start3A_86 = arith.constant 0 : i32
    %dma_start3A_87 = tpu.memref_slice %arg11[%dma_start3A_81, %dma_start3A_86] : memref<4x128xi32, #tpu.memory_space<vmem>> -> memref<1x128xi32, #tpu.memory_space<vmem>>
    %dma_start3A_88 = tpu.memref_squeeze %dma_start3A_87 : memref<1x128xi32, #tpu.memory_space<vmem>> -> memref<128xi32, #tpu.memory_space<vmem>>
    %dma_start3A_89 = arith.constant 0 : i32
    %dma_start3A_90 = tpu.memref_slice %arg7[%dma_start3A_89] : memref<1000000xf32, #tpu.memory_space<hbm>> -> memref<1000000xf32, #tpu.memory_space<hbm>>
    tpu.enqueue_indirect_dma source(%dma_start3A_90 : memref<1000000xf32, #tpu.memory_space<hbm>>) target(%dma_start3A_85 : memref<128xf32, #tpu.memory_space<vmem>>) offsets(%dma_start3A_88 : memref<128xi32, #tpu.memory_space<vmem>>) semaphore(%arg18 : memref<!tpu.dma_semaphore, #tpu.memory_space<semaphore_mem>>)
    %dma_start3A_91 = arith.constant 2 : i32
    %dma_start3A_92 = arith.constant 2 : i32
    %dma_start3A_93 = arith.constant 0 : i32
    %dma_start3A_94 = arith.constant 0 : i32
    %dma_start3A_95 = tpu.memref_slice %arg12[%dma_start3A_92, %dma_start3A_93, %dma_start3A_94] : memref<4x128x32xf32, #tpu.memory_space<vmem>> -> memref<1x128x32xf32, #tpu.memory_space<vmem>>
    %dma_start3A_96 = tpu.memref_squeeze %dma_start3A_95 : memref<1x128x32xf32, #tpu.memory_space<vmem>> -> memref<128x32xf32, #tpu.memory_space<vmem>>
    %dma_start3A_97 = arith.constant 0 : i32
    %dma_start3A_98 = tpu.memref_slice %arg10[%dma_start3A_91, %dma_start3A_97] : memref<4x128xi32, #tpu.memory_space<vmem>> -> memref<1x128xi32, #tpu.memory_space<vmem>>
    %dma_start3A_99 = tpu.memref_squeeze %dma_start3A_98 : memref<1x128xi32, #tpu.memory_space<vmem>> -> memref<128xi32, #tpu.memory_space<vmem>>
    %dma_start3A_100 = arith.constant 0 : i32
    %dma_start3A_101 = arith.constant 0 : i32
    %dma_start3A_102 = tpu.memref_slice %arg4[%dma_start3A_100, %dma_start3A_101] : memref<1000000x32xf32, #tpu.memory_space<hbm>> -> memref<1000000x32xf32, #tpu.memory_space<hbm>>
    tpu.enqueue_indirect_dma source(%dma_start3A_102 : memref<1000000x32xf32, #tpu.memory_space<hbm>>) target(%dma_start3A_96 : memref<128x32xf32, #tpu.memory_space<vmem>>) offsets(%dma_start3A_99 : memref<128xi32, #tpu.memory_space<vmem>>) semaphore(%arg18 : memref<!tpu.dma_semaphore, #tpu.memory_space<semaphore_mem>>)
    %dma_start3A_103 = arith.constant 2 : i32
    %dma_start3A_104 = arith.constant 2 : i32
    %dma_start3A_105 = arith.constant 0 : i32
    %dma_start3A_106 = arith.constant 0 : i32
    %dma_start3A_107 = tpu.memref_slice %arg13[%dma_start3A_104, %dma_start3A_105, %dma_start3A_106] : memref<4x128x32xf32, #tpu.memory_space<vmem>> -> memref<1x128x32xf32, #tpu.memory_space<vmem>>
    %dma_start3A_108 = tpu.memref_squeeze %dma_start3A_107 : memref<1x128x32xf32, #tpu.memory_space<vmem>> -> memref<128x32xf32, #tpu.memory_space<vmem>>
    %dma_start3A_109 = arith.constant 0 : i32
    %dma_start3A_110 = tpu.memref_slice %arg11[%dma_start3A_103, %dma_start3A_109] : memref<4x128xi32, #tpu.memory_space<vmem>> -> memref<1x128xi32, #tpu.memory_space<vmem>>
    %dma_start3A_111 = tpu.memref_squeeze %dma_start3A_110 : memref<1x128xi32, #tpu.memory_space<vmem>> -> memref<128xi32, #tpu.memory_space<vmem>>
    %dma_start3A_112 = arith.constant 0 : i32
    %dma_start3A_113 = arith.constant 0 : i32
    %dma_start3A_114 = tpu.memref_slice %arg5[%dma_start3A_112, %dma_start3A_113] : memref<1000000x32xf32, #tpu.memory_space<hbm>> -> memref<1000000x32xf32, #tpu.memory_space<hbm>>
    tpu.enqueue_indirect_dma source(%dma_start3A_114 : memref<1000000x32xf32, #tpu.memory_space<hbm>>) target(%dma_start3A_108 : memref<128x32xf32, #tpu.memory_space<vmem>>) offsets(%dma_start3A_111 : memref<128xi32, #tpu.memory_space<vmem>>) semaphore(%arg18 : memref<!tpu.dma_semaphore, #tpu.memory_space<semaphore_mem>>)
    %dma_start3A_115 = arith.constant 2 : i32
    %dma_start3A_116 = arith.constant 2 : i32
    %dma_start3A_117 = arith.constant 0 : i32
    %dma_start3A_118 = tpu.memref_slice %arg14[%dma_start3A_116, %dma_start3A_117] : memref<4x128xf32, #tpu.memory_space<vmem>> -> memref<1x128xf32, #tpu.memory_space<vmem>>
    %dma_start3A_119 = tpu.memref_squeeze %dma_start3A_118 : memref<1x128xf32, #tpu.memory_space<vmem>> -> memref<128xf32, #tpu.memory_space<vmem>>
    %dma_start3A_120 = arith.constant 0 : i32
    %dma_start3A_121 = tpu.memref_slice %arg10[%dma_start3A_115, %dma_start3A_120] : memref<4x128xi32, #tpu.memory_space<vmem>> -> memref<1x128xi32, #tpu.memory_space<vmem>>
    %dma_start3A_122 = tpu.memref_squeeze %dma_start3A_121 : memref<1x128xi32, #tpu.memory_space<vmem>> -> memref<128xi32, #tpu.memory_space<vmem>>
    %dma_start3A_123 = arith.constant 0 : i32
    %dma_start3A_124 = tpu.memref_slice %arg6[%dma_start3A_123] : memref<1000000xf32, #tpu.memory_space<hbm>> -> memref<1000000xf32, #tpu.memory_space<hbm>>
    tpu.enqueue_indirect_dma source(%dma_start3A_124 : memref<1000000xf32, #tpu.memory_space<hbm>>) target(%dma_start3A_119 : memref<128xf32, #tpu.memory_space<vmem>>) offsets(%dma_start3A_122 : memref<128xi32, #tpu.memory_space<vmem>>) semaphore(%arg18 : memref<!tpu.dma_semaphore, #tpu.memory_space<semaphore_mem>>)
    %dma_start3A_125 = arith.constant 2 : i32
    %dma_start3A_126 = arith.constant 2 : i32
    %dma_start3A_127 = arith.constant 0 : i32
    %dma_start3A_128 = tpu.memref_slice %arg15[%dma_start3A_126, %dma_start3A_127] : memref<4x128xf32, #tpu.memory_space<vmem>> -> memref<1x128xf32, #tpu.memory_space<vmem>>
    %dma_start3A_129 = tpu.memref_squeeze %dma_start3A_128 : memref<1x128xf32, #tpu.memory_space<vmem>> -> memref<128xf32, #tpu.memory_space<vmem>>
    %dma_start3A_130 = arith.constant 0 : i32
    %dma_start3A_131 = tpu.memref_slice %arg11[%dma_start3A_125, %dma_start3A_130] : memref<4x128xi32, #tpu.memory_space<vmem>> -> memref<1x128xi32, #tpu.memory_space<vmem>>
    %dma_start3A_132 = tpu.memref_squeeze %dma_start3A_131 : memref<1x128xi32, #tpu.memory_space<vmem>> -> memref<128xi32, #tpu.memory_space<vmem>>
    %dma_start3A_133 = arith.constant 0 : i32
    %dma_start3A_134 = tpu.memref_slice %arg7[%dma_start3A_133] : memref<1000000xf32, #tpu.memory_space<hbm>> -> memref<1000000xf32, #tpu.memory_space<hbm>>
    tpu.enqueue_indirect_dma source(%dma_start3A_134 : memref<1000000xf32, #tpu.memory_space<hbm>>) target(%dma_start3A_129 : memref<128xf32, #tpu.memory_space<vmem>>) offsets(%dma_start3A_132 : memref<128xi32, #tpu.memory_space<vmem>>) semaphore(%arg18 : memref<!tpu.dma_semaphore, #tpu.memory_space<semaphore_mem>>)
    %dma_start3A_135 = arith.constant 3 : i32
    %dma_start3A_136 = arith.constant 3 : i32
    %dma_start3A_137 = arith.constant 0 : i32
    %dma_start3A_138 = arith.constant 0 : i32
    %dma_start3A_139 = tpu.memref_slice %arg12[%dma_start3A_136, %dma_start3A_137, %dma_start3A_138] : memref<4x128x32xf32, #tpu.memory_space<vmem>> -> memref<1x128x32xf32, #tpu.memory_space<vmem>>
    %dma_start3A_140 = tpu.memref_squeeze %dma_start3A_139 : memref<1x128x32xf32, #tpu.memory_space<vmem>> -> memref<128x32xf32, #tpu.memory_space<vmem>>
    %dma_start3A_141 = arith.constant 0 : i32
    %dma_start3A_142 = tpu.memref_slice %arg10[%dma_start3A_135, %dma_start3A_141] : memref<4x128xi32, #tpu.memory_space<vmem>> -> memref<1x128xi32, #tpu.memory_space<vmem>>
    %dma_start3A_143 = tpu.memref_squeeze %dma_start3A_142 : memref<1x128xi32, #tpu.memory_space<vmem>> -> memref<128xi32, #tpu.memory_space<vmem>>
    %dma_start3A_144 = arith.constant 0 : i32
    %dma_start3A_145 = arith.constant 0 : i32
    %dma_start3A_146 = tpu.memref_slice %arg4[%dma_start3A_144, %dma_start3A_145] : memref<1000000x32xf32, #tpu.memory_space<hbm>> -> memref<1000000x32xf32, #tpu.memory_space<hbm>>
    tpu.enqueue_indirect_dma source(%dma_start3A_146 : memref<1000000x32xf32, #tpu.memory_space<hbm>>) target(%dma_start3A_140 : memref<128x32xf32, #tpu.memory_space<vmem>>) offsets(%dma_start3A_143 : memref<128xi32, #tpu.memory_space<vmem>>) semaphore(%arg18 : memref<!tpu.dma_semaphore, #tpu.memory_space<semaphore_mem>>)
    %dma_start3A_147 = arith.constant 3 : i32
    %dma_start3A_148 = arith.constant 3 : i32
    %dma_start3A_149 = arith.constant 0 : i32
    %dma_start3A_150 = arith.constant 0 : i32
    %dma_start3A_151 = tpu.memref_slice %arg13[%dma_start3A_148, %dma_start3A_149, %dma_start3A_150] : memref<4x128x32xf32, #tpu.memory_space<vmem>> -> memref<1x128x32xf32, #tpu.memory_space<vmem>>
    %dma_start3A_152 = tpu.memref_squeeze %dma_start3A_151 : memref<1x128x32xf32, #tpu.memory_space<vmem>> -> memref<128x32xf32, #tpu.memory_space<vmem>>
    %dma_start3A_153 = arith.constant 0 : i32
    %dma_start3A_154 = tpu.memref_slice %arg11[%dma_start3A_147, %dma_start3A_153] : memref<4x128xi32, #tpu.memory_space<vmem>> -> memref<1x128xi32, #tpu.memory_space<vmem>>
    %dma_start3A_155 = tpu.memref_squeeze %dma_start3A_154 : memref<1x128xi32, #tpu.memory_space<vmem>> -> memref<128xi32, #tpu.memory_space<vmem>>
    %dma_start3A_156 = arith.constant 0 : i32
    %dma_start3A_157 = arith.constant 0 : i32
    %dma_start3A_158 = tpu.memref_slice %arg5[%dma_start3A_156, %dma_start3A_157] : memref<1000000x32xf32, #tpu.memory_space<hbm>> -> memref<1000000x32xf32, #tpu.memory_space<hbm>>
    tpu.enqueue_indirect_dma source(%dma_start3A_158 : memref<1000000x32xf32, #tpu.memory_space<hbm>>) target(%dma_start3A_152 : memref<128x32xf32, #tpu.memory_space<vmem>>) offsets(%dma_start3A_155 : memref<128xi32, #tpu.memory_space<vmem>>) semaphore(%arg18 : memref<!tpu.dma_semaphore, #tpu.memory_space<semaphore_mem>>)
    %dma_start3A_159 = arith.constant 3 : i32
    %dma_start3A_160 = arith.constant 3 : i32
    %dma_start3A_161 = arith.constant 0 : i32
    %dma_start3A_162 = tpu.memref_slice %arg14[%dma_start3A_160, %dma_start3A_161] : memref<4x128xf32, #tpu.memory_space<vmem>> -> memref<1x128xf32, #tpu.memory_space<vmem>>
    %dma_start3A_163 = tpu.memref_squeeze %dma_start3A_162 : memref<1x128xf32, #tpu.memory_space<vmem>> -> memref<128xf32, #tpu.memory_space<vmem>>
    %dma_start3A_164 = arith.constant 0 : i32
    %dma_start3A_165 = tpu.memref_slice %arg10[%dma_start3A_159, %dma_start3A_164] : memref<4x128xi32, #tpu.memory_space<vmem>> -> memref<1x128xi32, #tpu.memory_space<vmem>>
    %dma_start3A_166 = tpu.memref_squeeze %dma_start3A_165 : memref<1x128xi32, #tpu.memory_space<vmem>> -> memref<128xi32, #tpu.memory_space<vmem>>
    %dma_start3A_167 = arith.constant 0 : i32
    %dma_start3A_168 = tpu.memref_slice %arg6[%dma_start3A_167] : memref<1000000xf32, #tpu.memory_space<hbm>> -> memref<1000000xf32, #tpu.memory_space<hbm>>
    tpu.enqueue_indirect_dma source(%dma_start3A_168 : memref<1000000xf32, #tpu.memory_space<hbm>>) target(%dma_start3A_163 : memref<128xf32, #tpu.memory_space<vmem>>) offsets(%dma_start3A_166 : memref<128xi32, #tpu.memory_space<vmem>>) semaphore(%arg18 : memref<!tpu.dma_semaphore, #tpu.memory_space<semaphore_mem>>)
    %dma_start3A_169 = arith.constant 3 : i32
    %dma_start3A_170 = arith.constant 3 : i32
    %dma_start3A_171 = arith.constant 0 : i32
    %dma_start3A_172 = tpu.memref_slice %arg15[%dma_start3A_170, %dma_start3A_171] : memref<4x128xf32, #tpu.memory_space<vmem>> -> memref<1x128xf32, #tpu.memory_space<vmem>>
    %dma_start3A_173 = tpu.memref_squeeze %dma_start3A_172 : memref<1x128xf32, #tpu.memory_space<vmem>> -> memref<128xf32, #tpu.memory_space<vmem>>
    %dma_start3A_174 = arith.constant 0 : i32
    %dma_start3A_175 = tpu.memref_slice %arg11[%dma_start3A_169, %dma_start3A_174] : memref<4x128xi32, #tpu.memory_space<vmem>> -> memref<1x128xi32, #tpu.memory_space<vmem>>
    %dma_start3A_176 = tpu.memref_squeeze %dma_start3A_175 : memref<1x128xi32, #tpu.memory_space<vmem>> -> memref<128xi32, #tpu.memory_space<vmem>>
    %dma_start3A_177 = arith.constant 0 : i32
    %dma_start3A_178 = tpu.memref_slice %arg7[%dma_start3A_177] : memref<1000000xf32, #tpu.memory_space<hbm>> -> memref<1000000xf32, #tpu.memory_space<hbm>>
    tpu.enqueue_indirect_dma source(%dma_start3A_178 : memref<1000000xf32, #tpu.memory_space<hbm>>) target(%dma_start3A_173 : memref<128xf32, #tpu.memory_space<vmem>>) offsets(%dma_start3A_176 : memref<128xi32, #tpu.memory_space<vmem>>) semaphore(%arg18 : memref<!tpu.dma_semaphore, #tpu.memory_space<semaphore_mem>>)
    %dma_wait3A = arith.constant 0 : i32
    %dma_wait3A_179 = arith.constant 0 : i32
    %dma_wait3A_180 = arith.constant 0 : i32
    %dma_wait3A_181 = arith.constant 0 : i32
    %dma_wait3A_182 = tpu.memref_slice %arg12[%dma_wait3A_179, %dma_wait3A_180, %dma_wait3A_181] : memref<4x128x32xf32, #tpu.memory_space<vmem>> -> memref<1x128x32xf32, #tpu.memory_space<vmem>>
    %dma_wait3A_183 = tpu.memref_squeeze %dma_wait3A_182 : memref<1x128x32xf32, #tpu.memory_space<vmem>> -> memref<128x32xf32, #tpu.memory_space<vmem>>
    %dma_wait3A_184 = arith.constant 0 : i32
    %dma_wait3A_185 = tpu.memref_slice %arg10[%dma_wait3A, %dma_wait3A_184] : memref<4x128xi32, #tpu.memory_space<vmem>> -> memref<1x128xi32, #tpu.memory_space<vmem>>
    %dma_wait3A_186 = tpu.memref_squeeze %dma_wait3A_185 : memref<1x128xi32, #tpu.memory_space<vmem>> -> memref<128xi32, #tpu.memory_space<vmem>>
    %dma_wait3A_187 = arith.constant 0 : i32
    %dma_wait3A_188 = arith.constant 0 : i32
    %dma_wait3A_189 = tpu.memref_slice %arg4[%dma_wait3A_187, %dma_wait3A_188] : memref<1000000x32xf32, #tpu.memory_space<hbm>> -> memref<1000000x32xf32, #tpu.memory_space<hbm>>
    tpu.wait_indirect_dma semaphore(%arg18 : memref<!tpu.dma_semaphore, #tpu.memory_space<semaphore_mem>>) src(%dma_wait3A_189 : memref<1000000x32xf32, #tpu.memory_space<hbm>>) dst(%dma_wait3A_183 : memref<128x32xf32, #tpu.memory_space<vmem>>)
    %dma_wait3A_190 = arith.constant 0 : i32
    %dma_wait3A_191 = arith.constant 0 : i32
    %dma_wait3A_192 = arith.constant 0 : i32
    %dma_wait3A_193 = arith.constant 0 : i32
    %dma_wait3A_194 = tpu.memref_slice %arg13[%dma_wait3A_191, %dma_wait3A_192, %dma_wait3A_193] : memref<4x128x32xf32, #tpu.memory_space<vmem>> -> memref<1x128x32xf32, #tpu.memory_space<vmem>>
    %dma_wait3A_195 = tpu.memref_squeeze %dma_wait3A_194 : memref<1x128x32xf32, #tpu.memory_space<vmem>> -> memref<128x32xf32, #tpu.memory_space<vmem>>
    %dma_wait3A_196 = arith.constant 0 : i32
    %dma_wait3A_197 = tpu.memref_slice %arg11[%dma_wait3A_190, %dma_wait3A_196] : memref<4x128xi32, #tpu.memory_space<vmem>> -> memref<1x128xi32, #tpu.memory_space<vmem>>
    %dma_wait3A_198 = tpu.memref_squeeze %dma_wait3A_197 : memref<1x128xi32, #tpu.memory_space<vmem>> -> memref<128xi32, #tpu.memory_space<vmem>>
    %dma_wait3A_199 = arith.constant 0 : i32
    %dma_wait3A_200 = arith.constant 0 : i32
    %dma_wait3A_201 = tpu.memref_slice %arg5[%dma_wait3A_199, %dma_wait3A_200] : memref<1000000x32xf32, #tpu.memory_space<hbm>> -> memref<1000000x32xf32, #tpu.memory_space<hbm>>
    tpu.wait_indirect_dma semaphore(%arg18 : memref<!tpu.dma_semaphore, #tpu.memory_space<semaphore_mem>>) src(%dma_wait3A_201 : memref<1000000x32xf32, #tpu.memory_space<hbm>>) dst(%dma_wait3A_195 : memref<128x32xf32, #tpu.memory_space<vmem>>)
    %dma_wait3A_202 = arith.constant 0 : i32
    %dma_wait3A_203 = arith.constant 0 : i32
    %dma_wait3A_204 = arith.constant 0 : i32
    %dma_wait3A_205 = tpu.memref_slice %arg14[%dma_wait3A_203, %dma_wait3A_204] : memref<4x128xf32, #tpu.memory_space<vmem>> -> memref<1x128xf32, #tpu.memory_space<vmem>>
    %dma_wait3A_206 = tpu.memref_squeeze %dma_wait3A_205 : memref<1x128xf32, #tpu.memory_space<vmem>> -> memref<128xf32, #tpu.memory_space<vmem>>
    %dma_wait3A_207 = arith.constant 0 : i32
    %dma_wait3A_208 = tpu.memref_slice %arg10[%dma_wait3A_202, %dma_wait3A_207] : memref<4x128xi32, #tpu.memory_space<vmem>> -> memref<1x128xi32, #tpu.memory_space<vmem>>
    %dma_wait3A_209 = tpu.memref_squeeze %dma_wait3A_208 : memref<1x128xi32, #tpu.memory_space<vmem>> -> memref<128xi32, #tpu.memory_space<vmem>>
    %dma_wait3A_210 = arith.constant 0 : i32
    %dma_wait3A_211 = tpu.memref_slice %arg6[%dma_wait3A_210] : memref<1000000xf32, #tpu.memory_space<hbm>> -> memref<1000000xf32, #tpu.memory_space<hbm>>
    tpu.wait_indirect_dma semaphore(%arg18 : memref<!tpu.dma_semaphore, #tpu.memory_space<semaphore_mem>>) src(%dma_wait3A_211 : memref<1000000xf32, #tpu.memory_space<hbm>>) dst(%dma_wait3A_206 : memref<128xf32, #tpu.memory_space<vmem>>)
    %dma_wait3A_212 = arith.constant 0 : i32
    %dma_wait3A_213 = arith.constant 0 : i32
    %dma_wait3A_214 = arith.constant 0 : i32
    %dma_wait3A_215 = tpu.memref_slice %arg15[%dma_wait3A_213, %dma_wait3A_214] : memref<4x128xf32, #tpu.memory_space<vmem>> -> memref<1x128xf32, #tpu.memory_space<vmem>>
    %dma_wait3A_216 = tpu.memref_squeeze %dma_wait3A_215 : memref<1x128xf32, #tpu.memory_space<vmem>> -> memref<128xf32, #tpu.memory_space<vmem>>
    %dma_wait3A_217 = arith.constant 0 : i32
    %dma_wait3A_218 = tpu.memref_slice %arg11[%dma_wait3A_212, %dma_wait3A_217] : memref<4x128xi32, #tpu.memory_space<vmem>> -> memref<1x128xi32, #tpu.memory_space<vmem>>
    %dma_wait3A_219 = tpu.memref_squeeze %dma_wait3A_218 : memref<1x128xi32, #tpu.memory_space<vmem>> -> memref<128xi32, #tpu.memory_space<vmem>>
    %dma_wait3A_220 = arith.constant 0 : i32
    %dma_wait3A_221 = tpu.memref_slice %arg7[%dma_wait3A_220] : memref<1000000xf32, #tpu.memory_space<hbm>> -> memref<1000000xf32, #tpu.memory_space<hbm>>
    tpu.wait_indirect_dma semaphore(%arg18 : memref<!tpu.dma_semaphore, #tpu.memory_space<semaphore_mem>>) src(%dma_wait3A_221 : memref<1000000xf32, #tpu.memory_space<hbm>>) dst(%dma_wait3A_216 : memref<128xf32, #tpu.memory_space<vmem>>)
    %dma_wait3A_222 = arith.constant 1 : i32
    %dma_wait3A_223 = arith.constant 1 : i32
    %dma_wait3A_224 = arith.constant 0 : i32
    %dma_wait3A_225 = arith.constant 0 : i32
    %dma_wait3A_226 = tpu.memref_slice %arg12[%dma_wait3A_223, %dma_wait3A_224, %dma_wait3A_225] : memref<4x128x32xf32, #tpu.memory_space<vmem>> -> memref<1x128x32xf32, #tpu.memory_space<vmem>>
    %dma_wait3A_227 = tpu.memref_squeeze %dma_wait3A_226 : memref<1x128x32xf32, #tpu.memory_space<vmem>> -> memref<128x32xf32, #tpu.memory_space<vmem>>
    %dma_wait3A_228 = arith.constant 0 : i32
    %dma_wait3A_229 = tpu.memref_slice %arg10[%dma_wait3A_222, %dma_wait3A_228] : memref<4x128xi32, #tpu.memory_space<vmem>> -> memref<1x128xi32, #tpu.memory_space<vmem>>
    %dma_wait3A_230 = tpu.memref_squeeze %dma_wait3A_229 : memref<1x128xi32, #tpu.memory_space<vmem>> -> memref<128xi32, #tpu.memory_space<vmem>>
    %dma_wait3A_231 = arith.constant 0 : i32
    %dma_wait3A_232 = arith.constant 0 : i32
    %dma_wait3A_233 = tpu.memref_slice %arg4[%dma_wait3A_231, %dma_wait3A_232] : memref<1000000x32xf32, #tpu.memory_space<hbm>> -> memref<1000000x32xf32, #tpu.memory_space<hbm>>
    tpu.wait_indirect_dma semaphore(%arg18 : memref<!tpu.dma_semaphore, #tpu.memory_space<semaphore_mem>>) src(%dma_wait3A_233 : memref<1000000x32xf32, #tpu.memory_space<hbm>>) dst(%dma_wait3A_227 : memref<128x32xf32, #tpu.memory_space<vmem>>)
    %dma_wait3A_234 = arith.constant 1 : i32
    %dma_wait3A_235 = arith.constant 1 : i32
    %dma_wait3A_236 = arith.constant 0 : i32
    %dma_wait3A_237 = arith.constant 0 : i32
    %dma_wait3A_238 = tpu.memref_slice %arg13[%dma_wait3A_235, %dma_wait3A_236, %dma_wait3A_237] : memref<4x128x32xf32, #tpu.memory_space<vmem>> -> memref<1x128x32xf32, #tpu.memory_space<vmem>>
    %dma_wait3A_239 = tpu.memref_squeeze %dma_wait3A_238 : memref<1x128x32xf32, #tpu.memory_space<vmem>> -> memref<128x32xf32, #tpu.memory_space<vmem>>
    %dma_wait3A_240 = arith.constant 0 : i32
    %dma_wait3A_241 = tpu.memref_slice %arg11[%dma_wait3A_234, %dma_wait3A_240] : memref<4x128xi32, #tpu.memory_space<vmem>> -> memref<1x128xi32, #tpu.memory_space<vmem>>
    %dma_wait3A_242 = tpu.memref_squeeze %dma_wait3A_241 : memref<1x128xi32, #tpu.memory_space<vmem>> -> memref<128xi32, #tpu.memory_space<vmem>>
    %dma_wait3A_243 = arith.constant 0 : i32
    %dma_wait3A_244 = arith.constant 0 : i32
    %dma_wait3A_245 = tpu.memref_slice %arg5[%dma_wait3A_243, %dma_wait3A_244] : memref<1000000x32xf32, #tpu.memory_space<hbm>> -> memref<1000000x32xf32, #tpu.memory_space<hbm>>
    tpu.wait_indirect_dma semaphore(%arg18 : memref<!tpu.dma_semaphore, #tpu.memory_space<semaphore_mem>>) src(%dma_wait3A_245 : memref<1000000x32xf32, #tpu.memory_space<hbm>>) dst(%dma_wait3A_239 : memref<128x32xf32, #tpu.memory_space<vmem>>)
    %dma_wait3A_246 = arith.constant 1 : i32
    %dma_wait3A_247 = arith.constant 1 : i32
    %dma_wait3A_248 = arith.constant 0 : i32
    %dma_wait3A_249 = tpu.memref_slice %arg14[%dma_wait3A_247, %dma_wait3A_248] : memref<4x128xf32, #tpu.memory_space<vmem>> -> memref<1x128xf32, #tpu.memory_space<vmem>>
    %dma_wait3A_250 = tpu.memref_squeeze %dma_wait3A_249 : memref<1x128xf32, #tpu.memory_space<vmem>> -> memref<128xf32, #tpu.memory_space<vmem>>
    %dma_wait3A_251 = arith.constant 0 : i32
    %dma_wait3A_252 = tpu.memref_slice %arg10[%dma_wait3A_246, %dma_wait3A_251] : memref<4x128xi32, #tpu.memory_space<vmem>> -> memref<1x128xi32, #tpu.memory_space<vmem>>
    %dma_wait3A_253 = tpu.memref_squeeze %dma_wait3A_252 : memref<1x128xi32, #tpu.memory_space<vmem>> -> memref<128xi32, #tpu.memory_space<vmem>>
    %dma_wait3A_254 = arith.constant 0 : i32
    %dma_wait3A_255 = tpu.memref_slice %arg6[%dma_wait3A_254] : memref<1000000xf32, #tpu.memory_space<hbm>> -> memref<1000000xf32, #tpu.memory_space<hbm>>
    tpu.wait_indirect_dma semaphore(%arg18 : memref<!tpu.dma_semaphore, #tpu.memory_space<semaphore_mem>>) src(%dma_wait3A_255 : memref<1000000xf32, #tpu.memory_space<hbm>>) dst(%dma_wait3A_250 : memref<128xf32, #tpu.memory_space<vmem>>)
    %dma_wait3A_256 = arith.constant 1 : i32
    %dma_wait3A_257 = arith.constant 1 : i32
    %dma_wait3A_258 = arith.constant 0 : i32
    %dma_wait3A_259 = tpu.memref_slice %arg15[%dma_wait3A_257, %dma_wait3A_258] : memref<4x128xf32, #tpu.memory_space<vmem>> -> memref<1x128xf32, #tpu.memory_space<vmem>>
    %dma_wait3A_260 = tpu.memref_squeeze %dma_wait3A_259 : memref<1x128xf32, #tpu.memory_space<vmem>> -> memref<128xf32, #tpu.memory_space<vmem>>
    %dma_wait3A_261 = arith.constant 0 : i32
    %dma_wait3A_262 = tpu.memref_slice %arg11[%dma_wait3A_256, %dma_wait3A_261] : memref<4x128xi32, #tpu.memory_space<vmem>> -> memref<1x128xi32, #tpu.memory_space<vmem>>
    %dma_wait3A_263 = tpu.memref_squeeze %dma_wait3A_262 : memref<1x128xi32, #tpu.memory_space<vmem>> -> memref<128xi32, #tpu.memory_space<vmem>>
    %dma_wait3A_264 = arith.constant 0 : i32
    %dma_wait3A_265 = tpu.memref_slice %arg7[%dma_wait3A_264] : memref<1000000xf32, #tpu.memory_space<hbm>> -> memref<1000000xf32, #tpu.memory_space<hbm>>
    tpu.wait_indirect_dma semaphore(%arg18 : memref<!tpu.dma_semaphore, #tpu.memory_space<semaphore_mem>>) src(%dma_wait3A_265 : memref<1000000xf32, #tpu.memory_space<hbm>>) dst(%dma_wait3A_260 : memref<128xf32, #tpu.memory_space<vmem>>)
    %dma_wait3A_266 = arith.constant 2 : i32
    %dma_wait3A_267 = arith.constant 2 : i32
    %dma_wait3A_268 = arith.constant 0 : i32
    %dma_wait3A_269 = arith.constant 0 : i32
    %dma_wait3A_270 = tpu.memref_slice %arg12[%dma_wait3A_267, %dma_wait3A_268, %dma_wait3A_269] : memref<4x128x32xf32, #tpu.memory_space<vmem>> -> memref<1x128x32xf32, #tpu.memory_space<vmem>>
    %dma_wait3A_271 = tpu.memref_squeeze %dma_wait3A_270 : memref<1x128x32xf32, #tpu.memory_space<vmem>> -> memref<128x32xf32, #tpu.memory_space<vmem>>
    %dma_wait3A_272 = arith.constant 0 : i32
    %dma_wait3A_273 = tpu.memref_slice %arg10[%dma_wait3A_266, %dma_wait3A_272] : memref<4x128xi32, #tpu.memory_space<vmem>> -> memref<1x128xi32, #tpu.memory_space<vmem>>
    %dma_wait3A_274 = tpu.memref_squeeze %dma_wait3A_273 : memref<1x128xi32, #tpu.memory_space<vmem>> -> memref<128xi32, #tpu.memory_space<vmem>>
    %dma_wait3A_275 = arith.constant 0 : i32
    %dma_wait3A_276 = arith.constant 0 : i32
    %dma_wait3A_277 = tpu.memref_slice %arg4[%dma_wait3A_275, %dma_wait3A_276] : memref<1000000x32xf32, #tpu.memory_space<hbm>> -> memref<1000000x32xf32, #tpu.memory_space<hbm>>
    tpu.wait_indirect_dma semaphore(%arg18 : memref<!tpu.dma_semaphore, #tpu.memory_space<semaphore_mem>>) src(%dma_wait3A_277 : memref<1000000x32xf32, #tpu.memory_space<hbm>>) dst(%dma_wait3A_271 : memref<128x32xf32, #tpu.memory_space<vmem>>)
    %dma_wait3A_278 = arith.constant 2 : i32
    %dma_wait3A_279 = arith.constant 2 : i32
    %dma_wait3A_280 = arith.constant 0 : i32
    %dma_wait3A_281 = arith.constant 0 : i32
    %dma_wait3A_282 = tpu.memref_slice %arg13[%dma_wait3A_279, %dma_wait3A_280, %dma_wait3A_281] : memref<4x128x32xf32, #tpu.memory_space<vmem>> -> memref<1x128x32xf32, #tpu.memory_space<vmem>>
    %dma_wait3A_283 = tpu.memref_squeeze %dma_wait3A_282 : memref<1x128x32xf32, #tpu.memory_space<vmem>> -> memref<128x32xf32, #tpu.memory_space<vmem>>
    %dma_wait3A_284 = arith.constant 0 : i32
    %dma_wait3A_285 = tpu.memref_slice %arg11[%dma_wait3A_278, %dma_wait3A_284] : memref<4x128xi32, #tpu.memory_space<vmem>> -> memref<1x128xi32, #tpu.memory_space<vmem>>
    %dma_wait3A_286 = tpu.memref_squeeze %dma_wait3A_285 : memref<1x128xi32, #tpu.memory_space<vmem>> -> memref<128xi32, #tpu.memory_space<vmem>>
    %dma_wait3A_287 = arith.constant 0 : i32
    %dma_wait3A_288 = arith.constant 0 : i32
    %dma_wait3A_289 = tpu.memref_slice %arg5[%dma_wait3A_287, %dma_wait3A_288] : memref<1000000x32xf32, #tpu.memory_space<hbm>> -> memref<1000000x32xf32, #tpu.memory_space<hbm>>
    tpu.wait_indirect_dma semaphore(%arg18 : memref<!tpu.dma_semaphore, #tpu.memory_space<semaphore_mem>>) src(%dma_wait3A_289 : memref<1000000x32xf32, #tpu.memory_space<hbm>>) dst(%dma_wait3A_283 : memref<128x32xf32, #tpu.memory_space<vmem>>)
    %dma_wait3A_290 = arith.constant 2 : i32
    %dma_wait3A_291 = arith.constant 2 : i32
    %dma_wait3A_292 = arith.constant 0 : i32
    %dma_wait3A_293 = tpu.memref_slice %arg14[%dma_wait3A_291, %dma_wait3A_292] : memref<4x128xf32, #tpu.memory_space<vmem>> -> memref<1x128xf32, #tpu.memory_space<vmem>>
    %dma_wait3A_294 = tpu.memref_squeeze %dma_wait3A_293 : memref<1x128xf32, #tpu.memory_space<vmem>> -> memref<128xf32, #tpu.memory_space<vmem>>
    %dma_wait3A_295 = arith.constant 0 : i32
    %dma_wait3A_296 = tpu.memref_slice %arg10[%dma_wait3A_290, %dma_wait3A_295] : memref<4x128xi32, #tpu.memory_space<vmem>> -> memref<1x128xi32, #tpu.memory_space<vmem>>
    %dma_wait3A_297 = tpu.memref_squeeze %dma_wait3A_296 : memref<1x128xi32, #tpu.memory_space<vmem>> -> memref<128xi32, #tpu.memory_space<vmem>>
    %dma_wait3A_298 = arith.constant 0 : i32
    %dma_wait3A_299 = tpu.memref_slice %arg6[%dma_wait3A_298] : memref<1000000xf32, #tpu.memory_space<hbm>> -> memref<1000000xf32, #tpu.memory_space<hbm>>
    tpu.wait_indirect_dma semaphore(%arg18 : memref<!tpu.dma_semaphore, #tpu.memory_space<semaphore_mem>>) src(%dma_wait3A_299 : memref<1000000xf32, #tpu.memory_space<hbm>>) dst(%dma_wait3A_294 : memref<128xf32, #tpu.memory_space<vmem>>)
    %dma_wait3A_300 = arith.constant 2 : i32
    %dma_wait3A_301 = arith.constant 2 : i32
    %dma_wait3A_302 = arith.constant 0 : i32
    %dma_wait3A_303 = tpu.memref_slice %arg15[%dma_wait3A_301, %dma_wait3A_302] : memref<4x128xf32, #tpu.memory_space<vmem>> -> memref<1x128xf32, #tpu.memory_space<vmem>>
    %dma_wait3A_304 = tpu.memref_squeeze %dma_wait3A_303 : memref<1x128xf32, #tpu.memory_space<vmem>> -> memref<128xf32, #tpu.memory_space<vmem>>
    %dma_wait3A_305 = arith.constant 0 : i32
    %dma_wait3A_306 = tpu.memref_slice %arg11[%dma_wait3A_300, %dma_wait3A_305] : memref<4x128xi32, #tpu.memory_space<vmem>> -> memref<1x128xi32, #tpu.memory_space<vmem>>
    %dma_wait3A_307 = tpu.memref_squeeze %dma_wait3A_306 : memref<1x128xi32, #tpu.memory_space<vmem>> -> memref<128xi32, #tpu.memory_space<vmem>>
    %dma_wait3A_308 = arith.constant 0 : i32
    %dma_wait3A_309 = tpu.memref_slice %arg7[%dma_wait3A_308] : memref<1000000xf32, #tpu.memory_space<hbm>> -> memref<1000000xf32, #tpu.memory_space<hbm>>
    tpu.wait_indirect_dma semaphore(%arg18 : memref<!tpu.dma_semaphore, #tpu.memory_space<semaphore_mem>>) src(%dma_wait3A_309 : memref<1000000xf32, #tpu.memory_space<hbm>>) dst(%dma_wait3A_304 : memref<128xf32, #tpu.memory_space<vmem>>)
    %dma_wait3A_310 = arith.constant 3 : i32
    %dma_wait3A_311 = arith.constant 3 : i32
    %dma_wait3A_312 = arith.constant 0 : i32
    %dma_wait3A_313 = arith.constant 0 : i32
    %dma_wait3A_314 = tpu.memref_slice %arg12[%dma_wait3A_311, %dma_wait3A_312, %dma_wait3A_313] : memref<4x128x32xf32, #tpu.memory_space<vmem>> -> memref<1x128x32xf32, #tpu.memory_space<vmem>>
    %dma_wait3A_315 = tpu.memref_squeeze %dma_wait3A_314 : memref<1x128x32xf32, #tpu.memory_space<vmem>> -> memref<128x32xf32, #tpu.memory_space<vmem>>
    %dma_wait3A_316 = arith.constant 0 : i32
    %dma_wait3A_317 = tpu.memref_slice %arg10[%dma_wait3A_310, %dma_wait3A_316] : memref<4x128xi32, #tpu.memory_space<vmem>> -> memref<1x128xi32, #tpu.memory_space<vmem>>
    %dma_wait3A_318 = tpu.memref_squeeze %dma_wait3A_317 : memref<1x128xi32, #tpu.memory_space<vmem>> -> memref<128xi32, #tpu.memory_space<vmem>>
    %dma_wait3A_319 = arith.constant 0 : i32
    %dma_wait3A_320 = arith.constant 0 : i32
    %dma_wait3A_321 = tpu.memref_slice %arg4[%dma_wait3A_319, %dma_wait3A_320] : memref<1000000x32xf32, #tpu.memory_space<hbm>> -> memref<1000000x32xf32, #tpu.memory_space<hbm>>
    tpu.wait_indirect_dma semaphore(%arg18 : memref<!tpu.dma_semaphore, #tpu.memory_space<semaphore_mem>>) src(%dma_wait3A_321 : memref<1000000x32xf32, #tpu.memory_space<hbm>>) dst(%dma_wait3A_315 : memref<128x32xf32, #tpu.memory_space<vmem>>)
    %dma_wait3A_322 = arith.constant 3 : i32
    %dma_wait3A_323 = arith.constant 3 : i32
    %dma_wait3A_324 = arith.constant 0 : i32
    %dma_wait3A_325 = arith.constant 0 : i32
    %dma_wait3A_326 = tpu.memref_slice %arg13[%dma_wait3A_323, %dma_wait3A_324, %dma_wait3A_325] : memref<4x128x32xf32, #tpu.memory_space<vmem>> -> memref<1x128x32xf32, #tpu.memory_space<vmem>>
    %dma_wait3A_327 = tpu.memref_squeeze %dma_wait3A_326 : memref<1x128x32xf32, #tpu.memory_space<vmem>> -> memref<128x32xf32, #tpu.memory_space<vmem>>
    %dma_wait3A_328 = arith.constant 0 : i32
    %dma_wait3A_329 = tpu.memref_slice %arg11[%dma_wait3A_322, %dma_wait3A_328] : memref<4x128xi32, #tpu.memory_space<vmem>> -> memref<1x128xi32, #tpu.memory_space<vmem>>
    %dma_wait3A_330 = tpu.memref_squeeze %dma_wait3A_329 : memref<1x128xi32, #tpu.memory_space<vmem>> -> memref<128xi32, #tpu.memory_space<vmem>>
    %dma_wait3A_331 = arith.constant 0 : i32
    %dma_wait3A_332 = arith.constant 0 : i32
    %dma_wait3A_333 = tpu.memref_slice %arg5[%dma_wait3A_331, %dma_wait3A_332] : memref<1000000x32xf32, #tpu.memory_space<hbm>> -> memref<1000000x32xf32, #tpu.memory_space<hbm>>
    tpu.wait_indirect_dma semaphore(%arg18 : memref<!tpu.dma_semaphore, #tpu.memory_space<semaphore_mem>>) src(%dma_wait3A_333 : memref<1000000x32xf32, #tpu.memory_space<hbm>>) dst(%dma_wait3A_327 : memref<128x32xf32, #tpu.memory_space<vmem>>)
    %dma_wait3A_334 = arith.constant 3 : i32
    %dma_wait3A_335 = arith.constant 3 : i32
    %dma_wait3A_336 = arith.constant 0 : i32
    %dma_wait3A_337 = tpu.memref_slice %arg14[%dma_wait3A_335, %dma_wait3A_336] : memref<4x128xf32, #tpu.memory_space<vmem>> -> memref<1x128xf32, #tpu.memory_space<vmem>>
    %dma_wait3A_338 = tpu.memref_squeeze %dma_wait3A_337 : memref<1x128xf32, #tpu.memory_space<vmem>> -> memref<128xf32, #tpu.memory_space<vmem>>
    %dma_wait3A_339 = arith.constant 0 : i32
    %dma_wait3A_340 = tpu.memref_slice %arg10[%dma_wait3A_334, %dma_wait3A_339] : memref<4x128xi32, #tpu.memory_space<vmem>> -> memref<1x128xi32, #tpu.memory_space<vmem>>
    %dma_wait3A_341 = tpu.memref_squeeze %dma_wait3A_340 : memref<1x128xi32, #tpu.memory_space<vmem>> -> memref<128xi32, #tpu.memory_space<vmem>>
    %dma_wait3A_342 = arith.constant 0 : i32
    %dma_wait3A_343 = tpu.memref_slice %arg6[%dma_wait3A_342] : memref<1000000xf32, #tpu.memory_space<hbm>> -> memref<1000000xf32, #tpu.memory_space<hbm>>
    tpu.wait_indirect_dma semaphore(%arg18 : memref<!tpu.dma_semaphore, #tpu.memory_space<semaphore_mem>>) src(%dma_wait3A_343 : memref<1000000xf32, #tpu.memory_space<hbm>>) dst(%dma_wait3A_338 : memref<128xf32, #tpu.memory_space<vmem>>)
    %dma_wait3A_344 = arith.constant 3 : i32
    %dma_wait3A_345 = arith.constant 3 : i32
    %dma_wait3A_346 = arith.constant 0 : i32
    %dma_wait3A_347 = tpu.memref_slice %arg15[%dma_wait3A_345, %dma_wait3A_346] : memref<4x128xf32, #tpu.memory_space<vmem>> -> memref<1x128xf32, #tpu.memory_space<vmem>>
    %dma_wait3A_348 = tpu.memref_squeeze %dma_wait3A_347 : memref<1x128xf32, #tpu.memory_space<vmem>> -> memref<128xf32, #tpu.memory_space<vmem>>
    %dma_wait3A_349 = arith.constant 0 : i32
    %dma_wait3A_350 = tpu.memref_slice %arg11[%dma_wait3A_344, %dma_wait3A_349] : memref<4x128xi32, #tpu.memory_space<vmem>> -> memref<1x128xi32, #tpu.memory_space<vmem>>
    %dma_wait3A_351 = tpu.memref_squeeze %dma_wait3A_350 : memref<1x128xi32, #tpu.memory_space<vmem>> -> memref<128xi32, #tpu.memory_space<vmem>>
    %dma_wait3A_352 = arith.constant 0 : i32
    %dma_wait3A_353 = tpu.memref_slice %arg7[%dma_wait3A_352] : memref<1000000xf32, #tpu.memory_space<hbm>> -> memref<1000000xf32, #tpu.memory_space<hbm>>
    tpu.wait_indirect_dma semaphore(%arg18 : memref<!tpu.dma_semaphore, #tpu.memory_space<semaphore_mem>>) src(%dma_wait3A_353 : memref<1000000xf32, #tpu.memory_space<hbm>>) dst(%dma_wait3A_348 : memref<128xf32, #tpu.memory_space<vmem>>)
    %scan3A = arith.constant 0 : i32
    %scan3A_354 = arith.constant 0 : i32
    %scan3A_355 = arith.constant 32 : i32
    %scan3A_356 = arith.addi %scan3A_354, %scan3A_355 : i32
    %scan3A_357 = arith.constant 1 : i32
    scf.for %scan3A_361 = %scan3A_354 to %scan3A_356 step %scan3A_357  : i32 {
      %jit3A = arith.constant 8 : i32
      %div3A = arith.divsi %scan3A_361, %jit3A : i32
      %sign3A = arith.constant 0 : i32
      %sign3A_362 = arith.cmpi sgt, %scan3A_361, %sign3A : i32
      %sign3A_363 = arith.extui %sign3A_362 : i1 to i32
      %sign3A_364 = arith.constant 0 : i32
      %sign3A_365 = arith.cmpi slt, %scan3A_361, %sign3A_364 : i32
      %sign3A_366 = arith.extui %sign3A_365 : i1 to i32
      %sign3A_367 = arith.subi %sign3A_363, %sign3A_366 : i32
      %sign3A_368 = arith.constant 0 : i32
      %sign3A_369 = arith.cmpi sgt, %jit3A, %sign3A_368 : i32
      %sign3A_370 = arith.extui %sign3A_369 : i1 to i32
      %sign3A_371 = arith.constant 0 : i32
      %sign3A_372 = arith.cmpi slt, %jit3A, %sign3A_371 : i32
      %sign3A_373 = arith.extui %sign3A_372 : i1 to i32
      %sign3A_374 = arith.subi %sign3A_370, %sign3A_373 : i32
      %ne3A = arith.cmpi ne, %sign3A_367, %sign3A_374 : i32
      %rem3A = arith.remsi %scan3A_361, %jit3A : i32
      %ne3A_375 = arith.constant 0 : i32
      %ne3A_376 = arith.cmpi ne, %rem3A, %ne3A_375 : i32
      %and3A = arith.andi %ne3A, %ne3A_376 : i1
      %sub3A = arith.constant 1 : i32
      %sub3A_377 = arith.subi %div3A, %sub3A : i32
      %select_n3A = arith.select %and3A, %sub3A_377, %div3A : i32
      %jit3A_378 = arith.constant 8 : i32
      %eq3A = arith.constant 0 : i32
      %eq3A_379 = arith.cmpi eq, %jit3A_378, %eq3A : i32
      %jit3A_380 = arith.constant 1 : i32
      %select_n3A_381 = arith.select %eq3A_379, %jit3A_380, %jit3A_378 : i32
      %rem3A_382 = arith.remsi %scan3A_361, %select_n3A_381 : i32
      %ne3A_383 = arith.constant 0 : i32
      %ne3A_384 = arith.cmpi ne, %rem3A_382, %ne3A_383 : i32
      %lt3A = arith.constant 0 : i32
      %lt3A_385 = arith.cmpi slt, %rem3A_382, %lt3A : i32
      %lt3A_386 = arith.constant 0 : i32
      %lt3A_387 = arith.cmpi slt, %select_n3A_381, %lt3A_386 : i32
      %ne3A_388 = arith.xori %lt3A_385, %lt3A_387 : i1
      %and3A_389 = arith.andi %ne3A_388, %ne3A_384 : i1
      %add3A_390 = arith.addi %rem3A_382, %select_n3A_381 : i32
      %select_n3A_391 = arith.select %and3A_389, %add3A_390, %rem3A_382 : i32
      %mul3A_392 = arith.constant 16 : i32
      %mul3A_393 = arith.muli %select_n3A_391, %mul3A_392 : i32
      %iota3A = tpu.iota {dimensions = array<i32: 0>} : vector<16xi32>
      %add3A_394 = vector.broadcast %mul3A_393 : i32 to vector<16xi32>
      %add3A_395 = arith.addi %iota3A, %add3A_394 : vector<16xi32>
      %broadcast_in_dim3A = vector.broadcast %select_n3A : i32 to vector<16xi32>
      %gather3A = tpu.vector_load_idx %arg14[%broadcast_in_dim3A, %add3A_395] : memref<4x128xf32, #tpu.memory_space<vmem>>[vector<16xi32>, vector<16xi32>], vector<16xf32>,
      %gather3A_396 = tpu.vector_load_idx %arg15[%broadcast_in_dim3A, %add3A_395] : memref<4x128xf32, #tpu.memory_space<vmem>>[vector<16xi32>, vector<16xi32>], vector<16xf32>,
      %add3A_397 = arith.addf %gather3A, %gather3A_396 : vector<16xf32>
      %broadcast_in_dim3A_398 = arith.constant 0 : i32
      %broadcast_in_dim3A_399 = vector.broadcast %broadcast_in_dim3A_398 : i32 to vector<16xi32>
      %gather3A_400 = tpu.vector_load_idx %arg12[%broadcast_in_dim3A, %add3A_395, %broadcast_in_dim3A_399] : memref<4x128x32xf32, #tpu.memory_space<vmem>>[vector<16xi32>, vector<16xi32>, vector<16xi32>], vector<16xf32>,
      %gather3A_401 = tpu.vector_load_idx %arg13[%broadcast_in_dim3A, %add3A_395, %broadcast_in_dim3A_399] : memref<4x128x32xf32, #tpu.memory_space<vmem>>[vector<16xi32>, vector<16xi32>, vector<16xi32>], vector<16xf32>,
      %mul3A_402 = arith.mulf %gather3A_400, %gather3A_401 : vector<16xf32>
      %add3A_403 = arith.addf %add3A_397, %mul3A_402 : vector<16xf32>
      %broadcast_in_dim3A_404 = arith.constant 1 : i32
      %broadcast_in_dim3A_405 = vector.broadcast %broadcast_in_dim3A_404 : i32 to vector<16xi32>
      %gather3A_406 = tpu.vector_load_idx %arg12[%broadcast_in_dim3A, %add3A_395, %broadcast_in_dim3A_405] : memref<4x128x32xf32, #tpu.memory_space<vmem>>[vector<16xi32>, vector<16xi32>, vector<16xi32>], vector<16xf32>,
      %gather3A_407 = tpu.vector_load_idx %arg13[%broadcast_in_dim3A, %add3A_395, %broadcast_in_dim3A_405] : memref<4x128x32xf32, #tpu.memory_space<vmem>>[vector<16xi32>, vector<16xi32>, vector<16xi32>], vector<16xf32>,
      %mul3A_408 = arith.mulf %gather3A_406, %gather3A_407 : vector<16xf32>
      %add3A_409 = arith.addf %add3A_403, %mul3A_408 : vector<16xf32>
      %broadcast_in_dim3A_410 = arith.constant 2 : i32
      %broadcast_in_dim3A_411 = vector.broadcast %broadcast_in_dim3A_410 : i32 to vector<16xi32>
      %gather3A_412 = tpu.vector_load_idx %arg12[%broadcast_in_dim3A, %add3A_395, %broadcast_in_dim3A_411] : memref<4x128x32xf32, #tpu.memory_space<vmem>>[vector<16xi32>, vector<16xi32>, vector<16xi32>], vector<16xf32>,
      %gather3A_413 = tpu.vector_load_idx %arg13[%broadcast_in_dim3A, %add3A_395, %broadcast_in_dim3A_411] : memref<4x128x32xf32, #tpu.memory_space<vmem>>[vector<16xi32>, vector<16xi32>, vector<16xi32>], vector<16xf32>,
      %mul3A_414 = arith.mulf %gather3A_412, %gather3A_413 : vector<16xf32>
      %add3A_415 = arith.addf %add3A_409, %mul3A_414 : vector<16xf32>
      %broadcast_in_dim3A_416 = arith.constant 3 : i32
      %broadcast_in_dim3A_417 = vector.broadcast %broadcast_in_dim3A_416 : i32 to vector<16xi32>
      %gather3A_418 = tpu.vector_load_idx %arg12[%broadcast_in_dim3A, %add3A_395, %broadcast_in_dim3A_417] : memref<4x128x32xf32, #tpu.memory_space<vmem>>[vector<16xi32>, vector<16xi32>, vector<16xi32>], vector<16xf32>,
      %gather3A_419 = tpu.vector_load_idx %arg13[%broadcast_in_dim3A, %add3A_395, %broadcast_in_dim3A_417] : memref<4x128x32xf32, #tpu.memory_space<vmem>>[vector<16xi32>, vector<16xi32>, vector<16xi32>], vector<16xf32>,
      %mul3A_420 = arith.mulf %gather3A_418, %gather3A_419 : vector<16xf32>
      %add3A_421 = arith.addf %add3A_415, %mul3A_420 : vector<16xf32>
      %broadcast_in_dim3A_422 = arith.constant 4 : i32
      %broadcast_in_dim3A_423 = vector.broadcast %broadcast_in_dim3A_422 : i32 to vector<16xi32>
      %gather3A_424 = tpu.vector_load_idx %arg12[%broadcast_in_dim3A, %add3A_395, %broadcast_in_dim3A_423] : memref<4x128x32xf32, #tpu.memory_space<vmem>>[vector<16xi32>, vector<16xi32>, vector<16xi32>], vector<16xf32>,
      %gather3A_425 = tpu.vector_load_idx %arg13[%broadcast_in_dim3A, %add3A_395, %broadcast_in_dim3A_423] : memref<4x128x32xf32, #tpu.memory_space<vmem>>[vector<16xi32>, vector<16xi32>, vector<16xi32>], vector<16xf32>,
      %mul3A_426 = arith.mulf %gather3A_424, %gather3A_425 : vector<16xf32>
      %add3A_427 = arith.addf %add3A_421, %mul3A_426 : vector<16xf32>
      %broadcast_in_dim3A_428 = arith.constant 5 : i32
      %broadcast_in_dim3A_429 = vector.broadcast %broadcast_in_dim3A_428 : i32 to vector<16xi32>
      %gather3A_430 = tpu.vector_load_idx %arg12[%broadcast_in_dim3A, %add3A_395, %broadcast_in_dim3A_429] : memref<4x128x32xf32, #tpu.memory_space<vmem>>[vector<16xi32>, vector<16xi32>, vector<16xi32>], vector<16xf32>,
      %gather3A_431 = tpu.vector_load_idx %arg13[%broadcast_in_dim3A, %add3A_395, %broadcast_in_dim3A_429] : memref<4x128x32xf32, #tpu.memory_space<vmem>>[vector<16xi32>, vector<16xi32>, vector<16xi32>], vector<16xf32>,
      %mul3A_432 = arith.mulf %gather3A_430, %gather3A_431 : vector<16xf32>
      %add3A_433 = arith.addf %add3A_427, %mul3A_432 : vector<16xf32>
      %broadcast_in_dim3A_434 = arith.constant 6 : i32
      %broadcast_in_dim3A_435 = vector.broadcast %broadcast_in_dim3A_434 : i32 to vector<16xi32>
      %gather3A_436 = tpu.vector_load_idx %arg12[%broadcast_in_dim3A, %add3A_395, %broadcast_in_dim3A_435] : memref<4x128x32xf32, #tpu.memory_space<vmem>>[vector<16xi32>, vector<16xi32>, vector<16xi32>], vector<16xf32>,
      %gather3A_437 = tpu.vector_load_idx %arg13[%broadcast_in_dim3A, %add3A_395, %broadcast_in_dim3A_435] : memref<4x128x32xf32, #tpu.memory_space<vmem>>[vector<16xi32>, vector<16xi32>, vector<16xi32>], vector<16xf32>,
      %mul3A_438 = arith.mulf %gather3A_436, %gather3A_437 : vector<16xf32>
      %add3A_439 = arith.addf %add3A_433, %mul3A_438 : vector<16xf32>
      %broadcast_in_dim3A_440 = arith.constant 7 : i32
      %broadcast_in_dim3A_441 = vector.broadcast %broadcast_in_dim3A_440 : i32 to vector<16xi32>
      %gather3A_442 = tpu.vector_load_idx %arg12[%broadcast_in_dim3A, %add3A_395, %broadcast_in_dim3A_441] : memref<4x128x32xf32, #tpu.memory_space<vmem>>[vector<16xi32>, vector<16xi32>, vector<16xi32>], vector<16xf32>,
      %gather3A_443 = tpu.vector_load_idx %arg13[%broadcast_in_dim3A, %add3A_395, %broadcast_in_dim3A_441] : memref<4x128x32xf32, #tpu.memory_space<vmem>>[vector<16xi32>, vector<16xi32>, vector<16xi32>], vector<16xf32>,
      %mul3A_444 = arith.mulf %gather3A_442, %gather3A_443 : vector<16xf32>
      %add3A_445 = arith.addf %add3A_439, %mul3A_444 : vector<16xf32>
      %broadcast_in_dim3A_446 = arith.constant 8 : i32
      %broadcast_in_dim3A_447 = vector.broadcast %broadcast_in_dim3A_446 : i32 to vector<16xi32>
      %gather3A_448 = tpu.vector_load_idx %arg12[%broadcast_in_dim3A, %add3A_395, %broadcast_in_dim3A_447] : memref<4x128x32xf32, #tpu.memory_space<vmem>>[vector<16xi32>, vector<16xi32>, vector<16xi32>], vector<16xf32>,
      %gather3A_449 = tpu.vector_load_idx %arg13[%broadcast_in_dim3A, %add3A_395, %broadcast_in_dim3A_447] : memref<4x128x32xf32, #tpu.memory_space<vmem>>[vector<16xi32>, vector<16xi32>, vector<16xi32>], vector<16xf32>,
      %mul3A_450 = arith.mulf %gather3A_448, %gather3A_449 : vector<16xf32>
      %add3A_451 = arith.addf %add3A_445, %mul3A_450 : vector<16xf32>
      %broadcast_in_dim3A_452 = arith.constant 9 : i32
      %broadcast_in_dim3A_453 = vector.broadcast %broadcast_in_dim3A_452 : i32 to vector<16xi32>
      %gather3A_454 = tpu.vector_load_idx %arg12[%broadcast_in_dim3A, %add3A_395, %broadcast_in_dim3A_453] : memref<4x128x32xf32, #tpu.memory_space<vmem>>[vector<16xi32>, vector<16xi32>, vector<16xi32>], vector<16xf32>,
      %gather3A_455 = tpu.vector_load_idx %arg13[%broadcast_in_dim3A, %add3A_395, %broadcast_in_dim3A_453] : memref<4x128x32xf32, #tpu.memory_space<vmem>>[vector<16xi32>, vector<16xi32>, vector<16xi32>], vector<16xf32>,
      %mul3A_456 = arith.mulf %gather3A_454, %gather3A_455 : vector<16xf32>
      %add3A_457 = arith.addf %add3A_451, %mul3A_456 : vector<16xf32>
      %broadcast_in_dim3A_458 = arith.constant 10 : i32
      %broadcast_in_dim3A_459 = vector.broadcast %broadcast_in_dim3A_458 : i32 to vector<16xi32>
      %gather3A_460 = tpu.vector_load_idx %arg12[%broadcast_in_dim3A, %add3A_395, %broadcast_in_dim3A_459] : memref<4x128x32xf32, #tpu.memory_space<vmem>>[vector<16xi32>, vector<16xi32>, vector<16xi32>], vector<16xf32>,
      %gather3A_461 = tpu.vector_load_idx %arg13[%broadcast_in_dim3A, %add3A_395, %broadcast_in_dim3A_459] : memref<4x128x32xf32, #tpu.memory_space<vmem>>[vector<16xi32>, vector<16xi32>, vector<16xi32>], vector<16xf32>,
      %mul3A_462 = arith.mulf %gather3A_460, %gather3A_461 : vector<16xf32>
      %add3A_463 = arith.addf %add3A_457, %mul3A_462 : vector<16xf32>
      %broadcast_in_dim3A_464 = arith.constant 11 : i32
      %broadcast_in_dim3A_465 = vector.broadcast %broadcast_in_dim3A_464 : i32 to vector<16xi32>
      %gather3A_466 = tpu.vector_load_idx %arg12[%broadcast_in_dim3A, %add3A_395, %broadcast_in_dim3A_465] : memref<4x128x32xf32, #tpu.memory_space<vmem>>[vector<16xi32>, vector<16xi32>, vector<16xi32>], vector<16xf32>,
      %gather3A_467 = tpu.vector_load_idx %arg13[%broadcast_in_dim3A, %add3A_395, %broadcast_in_dim3A_465] : memref<4x128x32xf32, #tpu.memory_space<vmem>>[vector<16xi32>, vector<16xi32>, vector<16xi32>], vector<16xf32>,
      %mul3A_468 = arith.mulf %gather3A_466, %gather3A_467 : vector<16xf32>
      %add3A_469 = arith.addf %add3A_463, %mul3A_468 : vector<16xf32>
      %broadcast_in_dim3A_470 = arith.constant 12 : i32
      %broadcast_in_dim3A_471 = vector.broadcast %broadcast_in_dim3A_470 : i32 to vector<16xi32>
      %gather3A_472 = tpu.vector_load_idx %arg12[%broadcast_in_dim3A, %add3A_395, %broadcast_in_dim3A_471] : memref<4x128x32xf32, #tpu.memory_space<vmem>>[vector<16xi32>, vector<16xi32>, vector<16xi32>], vector<16xf32>,
      %gather3A_473 = tpu.vector_load_idx %arg13[%broadcast_in_dim3A, %add3A_395, %broadcast_in_dim3A_471] : memref<4x128x32xf32, #tpu.memory_space<vmem>>[vector<16xi32>, vector<16xi32>, vector<16xi32>], vector<16xf32>,
      %mul3A_474 = arith.mulf %gather3A_472, %gather3A_473 : vector<16xf32>
      %add3A_475 = arith.addf %add3A_469, %mul3A_474 : vector<16xf32>
      %broadcast_in_dim3A_476 = arith.constant 13 : i32
      %broadcast_in_dim3A_477 = vector.broadcast %broadcast_in_dim3A_476 : i32 to vector<16xi32>
      %gather3A_478 = tpu.vector_load_idx %arg12[%broadcast_in_dim3A, %add3A_395, %broadcast_in_dim3A_477] : memref<4x128x32xf32, #tpu.memory_space<vmem>>[vector<16xi32>, vector<16xi32>, vector<16xi32>], vector<16xf32>,
      %gather3A_479 = tpu.vector_load_idx %arg13[%broadcast_in_dim3A, %add3A_395, %broadcast_in_dim3A_477] : memref<4x128x32xf32, #tpu.memory_space<vmem>>[vector<16xi32>, vector<16xi32>, vector<16xi32>], vector<16xf32>,
      %mul3A_480 = arith.mulf %gather3A_478, %gather3A_479 : vector<16xf32>
      %add3A_481 = arith.addf %add3A_475, %mul3A_480 : vector<16xf32>
      %broadcast_in_dim3A_482 = arith.constant 14 : i32
      %broadcast_in_dim3A_483 = vector.broadcast %broadcast_in_dim3A_482 : i32 to vector<16xi32>
      %gather3A_484 = tpu.vector_load_idx %arg12[%broadcast_in_dim3A, %add3A_395, %broadcast_in_dim3A_483] : memref<4x128x32xf32, #tpu.memory_space<vmem>>[vector<16xi32>, vector<16xi32>, vector<16xi32>], vector<16xf32>,
      %gather3A_485 = tpu.vector_load_idx %arg13[%broadcast_in_dim3A, %add3A_395, %broadcast_in_dim3A_483] : memref<4x128x32xf32, #tpu.memory_space<vmem>>[vector<16xi32>, vector<16xi32>, vector<16xi32>], vector<16xf32>,
      %mul3A_486 = arith.mulf %gather3A_484, %gather3A_485 : vector<16xf32>
      %add3A_487 = arith.addf %add3A_481, %mul3A_486 : vector<16xf32>
      %broadcast_in_dim3A_488 = arith.constant 15 : i32
      %broadcast_in_dim3A_489 = vector.broadcast %broadcast_in_dim3A_488 : i32 to vector<16xi32>
      %gather3A_490 = tpu.vector_load_idx %arg12[%broadcast_in_dim3A, %add3A_395, %broadcast_in_dim3A_489] : memref<4x128x32xf32, #tpu.memory_space<vmem>>[vector<16xi32>, vector<16xi32>, vector<16xi32>], vector<16xf32>,
      %gather3A_491 = tpu.vector_load_idx %arg13[%broadcast_in_dim3A, %add3A_395, %broadcast_in_dim3A_489] : memref<4x128x32xf32, #tpu.memory_space<vmem>>[vector<16xi32>, vector<16xi32>, vector<16xi32>], vector<16xf32>,
      %mul3A_492 = arith.mulf %gather3A_490, %gather3A_491 : vector<16xf32>
      %add3A_493 = arith.addf %add3A_487, %mul3A_492 : vector<16xf32>
      %broadcast_in_dim3A_494 = arith.constant 16 : i32
      %broadcast_in_dim3A_495 = vector.broadcast %broadcast_in_dim3A_494 : i32 to vector<16xi32>
      %gather3A_496 = tpu.vector_load_idx %arg12[%broadcast_in_dim3A, %add3A_395, %broadcast_in_dim3A_495] : memref<4x128x32xf32, #tpu.memory_space<vmem>>[vector<16xi32>, vector<16xi32>, vector<16xi32>], vector<16xf32>,
      %gather3A_497 = tpu.vector_load_idx %arg13[%broadcast_in_dim3A, %add3A_395, %broadcast_in_dim3A_495] : memref<4x128x32xf32, #tpu.memory_space<vmem>>[vector<16xi32>, vector<16xi32>, vector<16xi32>], vector<16xf32>,
      %mul3A_498 = arith.mulf %gather3A_496, %gather3A_497 : vector<16xf32>
      %add3A_499 = arith.addf %add3A_493, %mul3A_498 : vector<16xf32>
      %broadcast_in_dim3A_500 = arith.constant 17 : i32
      %broadcast_in_dim3A_501 = vector.broadcast %broadcast_in_dim3A_500 : i32 to vector<16xi32>
      %gather3A_502 = tpu.vector_load_idx %arg12[%broadcast_in_dim3A, %add3A_395, %broadcast_in_dim3A_501] : memref<4x128x32xf32, #tpu.memory_space<vmem>>[vector<16xi32>, vector<16xi32>, vector<16xi32>], vector<16xf32>,
      %gather3A_503 = tpu.vector_load_idx %arg13[%broadcast_in_dim3A, %add3A_395, %broadcast_in_dim3A_501] : memref<4x128x32xf32, #tpu.memory_space<vmem>>[vector<16xi32>, vector<16xi32>, vector<16xi32>], vector<16xf32>,
      %mul3A_504 = arith.mulf %gather3A_502, %gather3A_503 : vector<16xf32>
      %add3A_505 = arith.addf %add3A_499, %mul3A_504 : vector<16xf32>
      %broadcast_in_dim3A_506 = arith.constant 18 : i32
      %broadcast_in_dim3A_507 = vector.broadcast %broadcast_in_dim3A_506 : i32 to vector<16xi32>
      %gather3A_508 = tpu.vector_load_idx %arg12[%broadcast_in_dim3A, %add3A_395, %broadcast_in_dim3A_507] : memref<4x128x32xf32, #tpu.memory_space<vmem>>[vector<16xi32>, vector<16xi32>, vector<16xi32>], vector<16xf32>,
      %gather3A_509 = tpu.vector_load_idx %arg13[%broadcast_in_dim3A, %add3A_395, %broadcast_in_dim3A_507] : memref<4x128x32xf32, #tpu.memory_space<vmem>>[vector<16xi32>, vector<16xi32>, vector<16xi32>], vector<16xf32>,
      %mul3A_510 = arith.mulf %gather3A_508, %gather3A_509 : vector<16xf32>
      %add3A_511 = arith.addf %add3A_505, %mul3A_510 : vector<16xf32>
      %broadcast_in_dim3A_512 = arith.constant 19 : i32
      %broadcast_in_dim3A_513 = vector.broadcast %broadcast_in_dim3A_512 : i32 to vector<16xi32>
      %gather3A_514 = tpu.vector_load_idx %arg12[%broadcast_in_dim3A, %add3A_395, %broadcast_in_dim3A_513] : memref<4x128x32xf32, #tpu.memory_space<vmem>>[vector<16xi32>, vector<16xi32>, vector<16xi32>], vector<16xf32>,
      %gather3A_515 = tpu.vector_load_idx %arg13[%broadcast_in_dim3A, %add3A_395, %broadcast_in_dim3A_513] : memref<4x128x32xf32, #tpu.memory_space<vmem>>[vector<16xi32>, vector<16xi32>, vector<16xi32>], vector<16xf32>,
      %mul3A_516 = arith.mulf %gather3A_514, %gather3A_515 : vector<16xf32>
      %add3A_517 = arith.addf %add3A_511, %mul3A_516 : vector<16xf32>
      %broadcast_in_dim3A_518 = arith.constant 20 : i32
      %broadcast_in_dim3A_519 = vector.broadcast %broadcast_in_dim3A_518 : i32 to vector<16xi32>
      %gather3A_520 = tpu.vector_load_idx %arg12[%broadcast_in_dim3A, %add3A_395, %broadcast_in_dim3A_519] : memref<4x128x32xf32, #tpu.memory_space<vmem>>[vector<16xi32>, vector<16xi32>, vector<16xi32>], vector<16xf32>,
      %gather3A_521 = tpu.vector_load_idx %arg13[%broadcast_in_dim3A, %add3A_395, %broadcast_in_dim3A_519] : memref<4x128x32xf32, #tpu.memory_space<vmem>>[vector<16xi32>, vector<16xi32>, vector<16xi32>], vector<16xf32>,
      %mul3A_522 = arith.mulf %gather3A_520, %gather3A_521 : vector<16xf32>
      %add3A_523 = arith.addf %add3A_517, %mul3A_522 : vector<16xf32>
      %broadcast_in_dim3A_524 = arith.constant 21 : i32
      %broadcast_in_dim3A_525 = vector.broadcast %broadcast_in_dim3A_524 : i32 to vector<16xi32>
      %gather3A_526 = tpu.vector_load_idx %arg12[%broadcast_in_dim3A, %add3A_395, %broadcast_in_dim3A_525] : memref<4x128x32xf32, #tpu.memory_space<vmem>>[vector<16xi32>, vector<16xi32>, vector<16xi32>], vector<16xf32>,
      %gather3A_527 = tpu.vector_load_idx %arg13[%broadcast_in_dim3A, %add3A_395, %broadcast_in_dim3A_525] : memref<4x128x32xf32, #tpu.memory_space<vmem>>[vector<16xi32>, vector<16xi32>, vector<16xi32>], vector<16xf32>,
      %mul3A_528 = arith.mulf %gather3A_526, %gather3A_527 : vector<16xf32>
      %add3A_529 = arith.addf %add3A_523, %mul3A_528 : vector<16xf32>
      %broadcast_in_dim3A_530 = arith.constant 22 : i32
      %broadcast_in_dim3A_531 = vector.broadcast %broadcast_in_dim3A_530 : i32 to vector<16xi32>
      %gather3A_532 = tpu.vector_load_idx %arg12[%broadcast_in_dim3A, %add3A_395, %broadcast_in_dim3A_531] : memref<4x128x32xf32, #tpu.memory_space<vmem>>[vector<16xi32>, vector<16xi32>, vector<16xi32>], vector<16xf32>,
      %gather3A_533 = tpu.vector_load_idx %arg13[%broadcast_in_dim3A, %add3A_395, %broadcast_in_dim3A_531] : memref<4x128x32xf32, #tpu.memory_space<vmem>>[vector<16xi32>, vector<16xi32>, vector<16xi32>], vector<16xf32>,
      %mul3A_534 = arith.mulf %gather3A_532, %gather3A_533 : vector<16xf32>
      %add3A_535 = arith.addf %add3A_529, %mul3A_534 : vector<16xf32>
      %broadcast_in_dim3A_536 = arith.constant 23 : i32
      %broadcast_in_dim3A_537 = vector.broadcast %broadcast_in_dim3A_536 : i32 to vector<16xi32>
      %gather3A_538 = tpu.vector_load_idx %arg12[%broadcast_in_dim3A, %add3A_395, %broadcast_in_dim3A_537] : memref<4x128x32xf32, #tpu.memory_space<vmem>>[vector<16xi32>, vector<16xi32>, vector<16xi32>], vector<16xf32>,
      %gather3A_539 = tpu.vector_load_idx %arg13[%broadcast_in_dim3A, %add3A_395, %broadcast_in_dim3A_537] : memref<4x128x32xf32, #tpu.memory_space<vmem>>[vector<16xi32>, vector<16xi32>, vector<16xi32>], vector<16xf32>,
      %mul3A_540 = arith.mulf %gather3A_538, %gather3A_539 : vector<16xf32>
      %add3A_541 = arith.addf %add3A_535, %mul3A_540 : vector<16xf32>
      %broadcast_in_dim3A_542 = arith.constant 24 : i32
      %broadcast_in_dim3A_543 = vector.broadcast %broadcast_in_dim3A_542 : i32 to vector<16xi32>
      %gather3A_544 = tpu.vector_load_idx %arg12[%broadcast_in_dim3A, %add3A_395, %broadcast_in_dim3A_543] : memref<4x128x32xf32, #tpu.memory_space<vmem>>[vector<16xi32>, vector<16xi32>, vector<16xi32>], vector<16xf32>,
      %gather3A_545 = tpu.vector_load_idx %arg13[%broadcast_in_dim3A, %add3A_395, %broadcast_in_dim3A_543] : memref<4x128x32xf32, #tpu.memory_space<vmem>>[vector<16xi32>, vector<16xi32>, vector<16xi32>], vector<16xf32>,
      %mul3A_546 = arith.mulf %gather3A_544, %gather3A_545 : vector<16xf32>
      %add3A_547 = arith.addf %add3A_541, %mul3A_546 : vector<16xf32>
      %broadcast_in_dim3A_548 = arith.constant 25 : i32
      %broadcast_in_dim3A_549 = vector.broadcast %broadcast_in_dim3A_548 : i32 to vector<16xi32>
      %gather3A_550 = tpu.vector_load_idx %arg12[%broadcast_in_dim3A, %add3A_395, %broadcast_in_dim3A_549] : memref<4x128x32xf32, #tpu.memory_space<vmem>>[vector<16xi32>, vector<16xi32>, vector<16xi32>], vector<16xf32>,
      %gather3A_551 = tpu.vector_load_idx %arg13[%broadcast_in_dim3A, %add3A_395, %broadcast_in_dim3A_549] : memref<4x128x32xf32, #tpu.memory_space<vmem>>[vector<16xi32>, vector<16xi32>, vector<16xi32>], vector<16xf32>,
      %mul3A_552 = arith.mulf %gather3A_550, %gather3A_551 : vector<16xf32>
      %add3A_553 = arith.addf %add3A_547, %mul3A_552 : vector<16xf32>
      %broadcast_in_dim3A_554 = arith.constant 26 : i32
      %broadcast_in_dim3A_555 = vector.broadcast %broadcast_in_dim3A_554 : i32 to vector<16xi32>
      %gather3A_556 = tpu.vector_load_idx %arg12[%broadcast_in_dim3A, %add3A_395, %broadcast_in_dim3A_555] : memref<4x128x32xf32, #tpu.memory_space<vmem>>[vector<16xi32>, vector<16xi32>, vector<16xi32>], vector<16xf32>,
      %gather3A_557 = tpu.vector_load_idx %arg13[%broadcast_in_dim3A, %add3A_395, %broadcast_in_dim3A_555] : memref<4x128x32xf32, #tpu.memory_space<vmem>>[vector<16xi32>, vector<16xi32>, vector<16xi32>], vector<16xf32>,
      %mul3A_558 = arith.mulf %gather3A_556, %gather3A_557 : vector<16xf32>
      %add3A_559 = arith.addf %add3A_553, %mul3A_558 : vector<16xf32>
      %broadcast_in_dim3A_560 = arith.constant 27 : i32
      %broadcast_in_dim3A_561 = vector.broadcast %broadcast_in_dim3A_560 : i32 to vector<16xi32>
      %gather3A_562 = tpu.vector_load_idx %arg12[%broadcast_in_dim3A, %add3A_395, %broadcast_in_dim3A_561] : memref<4x128x32xf32, #tpu.memory_space<vmem>>[vector<16xi32>, vector<16xi32>, vector<16xi32>], vector<16xf32>,
      %gather3A_563 = tpu.vector_load_idx %arg13[%broadcast_in_dim3A, %add3A_395, %broadcast_in_dim3A_561] : memref<4x128x32xf32, #tpu.memory_space<vmem>>[vector<16xi32>, vector<16xi32>, vector<16xi32>], vector<16xf32>,
      %mul3A_564 = arith.mulf %gather3A_562, %gather3A_563 : vector<16xf32>
      %add3A_565 = arith.addf %add3A_559, %mul3A_564 : vector<16xf32>
      %broadcast_in_dim3A_566 = arith.constant 28 : i32
      %broadcast_in_dim3A_567 = vector.broadcast %broadcast_in_dim3A_566 : i32 to vector<16xi32>
      %gather3A_568 = tpu.vector_load_idx %arg12[%broadcast_in_dim3A, %add3A_395, %broadcast_in_dim3A_567] : memref<4x128x32xf32, #tpu.memory_space<vmem>>[vector<16xi32>, vector<16xi32>, vector<16xi32>], vector<16xf32>,
      %gather3A_569 = tpu.vector_load_idx %arg13[%broadcast_in_dim3A, %add3A_395, %broadcast_in_dim3A_567] : memref<4x128x32xf32, #tpu.memory_space<vmem>>[vector<16xi32>, vector<16xi32>, vector<16xi32>], vector<16xf32>,
      %mul3A_570 = arith.mulf %gather3A_568, %gather3A_569 : vector<16xf32>
      %add3A_571 = arith.addf %add3A_565, %mul3A_570 : vector<16xf32>
      %broadcast_in_dim3A_572 = arith.constant 29 : i32
      %broadcast_in_dim3A_573 = vector.broadcast %broadcast_in_dim3A_572 : i32 to vector<16xi32>
      %gather3A_574 = tpu.vector_load_idx %arg12[%broadcast_in_dim3A, %add3A_395, %broadcast_in_dim3A_573] : memref<4x128x32xf32, #tpu.memory_space<vmem>>[vector<16xi32>, vector<16xi32>, vector<16xi32>], vector<16xf32>,
      %gather3A_575 = tpu.vector_load_idx %arg13[%broadcast_in_dim3A, %add3A_395, %broadcast_in_dim3A_573] : memref<4x128x32xf32, #tpu.memory_space<vmem>>[vector<16xi32>, vector<16xi32>, vector<16xi32>], vector<16xf32>,
      %mul3A_576 = arith.mulf %gather3A_574, %gather3A_575 : vector<16xf32>
      %add3A_577 = arith.addf %add3A_571, %mul3A_576 : vector<16xf32>
      %broadcast_in_dim3A_578 = arith.constant 30 : i32
      %broadcast_in_dim3A_579 = vector.broadcast %broadcast_in_dim3A_578 : i32 to vector<16xi32>
      %gather3A_580 = tpu.vector_load_idx %arg12[%broadcast_in_dim3A, %add3A_395, %broadcast_in_dim3A_579] : memref<4x128x32xf32, #tpu.memory_space<vmem>>[vector<16xi32>, vector<16xi32>, vector<16xi32>], vector<16xf32>,
      %gather3A_581 = tpu.vector_load_idx %arg13[%broadcast_in_dim3A, %add3A_395, %broadcast_in_dim3A_579] : memref<4x128x32xf32, #tpu.memory_space<vmem>>[vector<16xi32>, vector<16xi32>, vector<16xi32>], vector<16xf32>,
      %mul3A_582 = arith.mulf %gather3A_580, %gather3A_581 : vector<16xf32>
      %add3A_583 = arith.addf %add3A_577, %mul3A_582 : vector<16xf32>
      %broadcast_in_dim3A_584 = arith.constant 31 : i32
      %broadcast_in_dim3A_585 = vector.broadcast %broadcast_in_dim3A_584 : i32 to vector<16xi32>
      %gather3A_586 = tpu.vector_load_idx %arg12[%broadcast_in_dim3A, %add3A_395, %broadcast_in_dim3A_585] : memref<4x128x32xf32, #tpu.memory_space<vmem>>[vector<16xi32>, vector<16xi32>, vector<16xi32>], vector<16xf32>,
      %gather3A_587 = tpu.vector_load_idx %arg13[%broadcast_in_dim3A, %add3A_395, %broadcast_in_dim3A_585] : memref<4x128x32xf32, #tpu.memory_space<vmem>>[vector<16xi32>, vector<16xi32>, vector<16xi32>], vector<16xf32>,
      %mul3A_588 = arith.mulf %gather3A_586, %gather3A_587 : vector<16xf32>
      %add3A_589 = arith.addf %add3A_583, %mul3A_588 : vector<16xf32>
      %add3A_590 = arith.addf %add3A_589, %get3A_3 : vector<16xf32>
      %mul3A_591 = arith.constant -2.000000e+00 : f32
      %mul3A_592 = vector.broadcast %mul3A_591 : f32 to vector<16xf32>
      %mul3A_593 = arith.mulf %mul3A_592, %add3A_590 : vector<16xf32>
      %exp3A = math.exp %mul3A_593 : vector<16xf32>
      %add3A_594 = arith.constant 1.000000e+00 : f32
      %add3A_595 = vector.broadcast %add3A_594 : f32 to vector<16xf32>
      %add3A_596 = arith.addf %add3A_595, %exp3A : vector<16xf32>
      %div3A_597 = arith.constant 5.000000e+00 : f32
      %div3A_598 = vector.broadcast %div3A_597 : f32 to vector<16xf32>
      %div3A_599 = arith.divf %div3A_598, %add3A_596 : vector<16xf32>
      %mul3A_600 = arith.constant 16 : i32
      %mul3A_601 = arith.muli %scan3A_361, %mul3A_600 : i32
      %swap3A = arith.index_cast %mul3A_601 : i32 to index
      %swap3A_602 = tpu.vector_load %arg17[%swap3A] {strides = array<i32>} : memref<512xf32, #tpu.memory_space<vmem>>, vector<16xf32>,
      tpu.vector_store %arg17[%swap3A], %div3A_599 {strides = array<i32>} : memref<512xf32, #tpu.memory_space<vmem>>, vector<16xf32>,
    }
    %scan3A_358 = arith.constant 32 : i32
    %mul3A_359 = arith.constant 512 : i32
    %mul3A_360 = arith.muli %add3A, %mul3A_359 : i32
    "tpu.region"() ({
      %run_scoped3A = tpu.sem_alloc : memref<!tpu.dma_semaphore, #tpu.memory_space<semaphore_mem>>
      %dma_start3A_361 = tpu.memref_slice %arg9[%mul3A_360] : memref<16384xf32, #tpu.memory_space<hbm>> -> memref<512xf32, #tpu.memory_space<hbm>>
      %dma_start3A_362 = tpu.memref_slice %arg9[%mul3A_360] : memref<16384xf32, #tpu.memory_space<hbm>> -> memref<512xf32, #tpu.memory_space<hbm>>
      tpu.enqueue_dma source(%arg17 : memref<512xf32, #tpu.memory_space<vmem>>) target(%dma_start3A_362 : memref<512xf32, #tpu.memory_space<hbm>>) target_semaphore(%run_scoped3A : memref<!tpu.dma_semaphore, #tpu.memory_space<semaphore_mem>>)
      %dma_wait3A_363 = tpu.memref_slice %arg9[%mul3A_360] : memref<16384xf32, #tpu.memory_space<hbm>> -> memref<512xf32, #tpu.memory_space<hbm>>
      %dma_wait3A_364 = tpu.memref_slice %arg9[%mul3A_360] : memref<16384xf32, #tpu.memory_space<hbm>> -> memref<512xf32, #tpu.memory_space<hbm>>
      tpu.wait_dma2 semaphore(%run_scoped3A : memref<!tpu.dma_semaphore, #tpu.memory_space<semaphore_mem>>) src(%arg17 : memref<512xf32, #tpu.memory_space<vmem>>) dst(%dma_wait3A_364 : memref<512xf32, #tpu.memory_space<hbm>>)
      tpu.yield
    }) : () -> ()
    return
  }
}

</mosaic_0001>

<sc_bundles>
// kernel: _mf.3.cloned.1.call-start
scs
__scs_entry_jumppad:
0x0: {  	(pc) =	sbr.rel $0x88, $3  }
0x1: {  	(tag) =	ssettag $0x0;
	lr =	simm.s32 $0x1  }
0x2: {  	[smem:$0x3F9A] =	sst lr;
	_ =	strace $0xD0000000  }
0x3: {  	_ = 	snop  }
0x4: {  	_ = 	snop  }
0x5: {  	_ = 	snop  }
0x6: {  	_ = 	snop  }
0x7: {  	_ = 	snop  }
__scs_overlays_trampoline_lowered:
0x8: {  	[smem:$0x3FA9] =	sst s0  }
0x9: {  	[smem:$0x3FAA] =	sst s1  }
0xa: {  	[smem:$0x3FAB] =	sst s2  }
0xb: {  	[smem:$0x3FAC] =	sst s3  }
0xc: {  	[smem:$0x3FAD] =	sst s4  }
0xd: {  	[smem:$0x3FAE] =	sst s5  }
0xe: {  	[smem:$0x3FAF] =	sst s6  }
0xf: {  	[smem:$0x3FB0] =	sst s7  }
0x10: {  	[smem:$0x3FB1] =	sst s8  }
0x11: {  	[smem:$0x3FB2] =	sst s9;
	s0 =	simm.s32 @!p0 $0x0  }
0x12: {  	s1 =	sld [smem:$0x3F98];
	s0 =	simm.s32 @p0 $0x1  }
0x13: {  	[smem:$0x3FB3] =	sst s0;
	s0 =	simm.s32 @!p1 $0x0  }
0x14: {  	s2 =	sld [smem:$0x3F97];
	s0 =	simm.s32 @p1 $0x1  }
0x15: {  	[smem:$0x3FB4] =	sst s0;
	s0 =	simm.s32 @!p2 $0x0  }
0x16: {  	s3 =	sld [smem:$0x3FDB];
	s0 =	simm.s32 @p2 $0x1  }
0x17: {  	s4 =	simm.s32 $0x1BF5;
	[smem:$0x3FB6] =	sst s0  }
0x18: {  	s0 =	sld [smem:$0x3F99];
	_ =	swait.ge [sflag:s4], $0x0  }
0x19: {  	s7 =	sld [smem:$0x3F9A]  }
0x1a: {  	s8 =	sadd.s32 $0xFFFFE003, lr  }
0x1b: {  	s9 =	sadd.s32 $0xFFFFFEF7, lr;
	s5 =	simm.s32 $0xFFFFFFFF;
	p2 =	slt.u32 s8, $0xFFFFF086  }
0x1c: {  	p1 =	slt.u32 s9, $0xF7A;
	s5 =	simm.s32 @!p2 $0x0  }
0x1d: {  	s5 =	simm.s32 @p1 $0x1;
	p0 =	seq.s32 s7, s2  }
0x1e: {  	s7 =	smul.u32 @!p0 $0xF7A, s2;
	p2 =	seq.s32 @!p0 s5, $0x0  }
0x1f: {  	s9 =	smul.u32 $0xF7A, s1;
	s8 =	simm.s32 @!p0 $0x1BF5;
	p2 =	por !p2, p0  }
0x20: {  	[sflag:s8] =	ssyncset.s32 @!p0 $0xFFFFF086;
	s6 =	sadd.s32 @!p0 s3, s7;
	s7 =	simm.s32 @!p0 $0x108  }
0x21: {  	s3 =	sadd.s32 s3, s9;
	s6 =	sadd.s32 @!p0 $0x88, s6;
	s7 =	simm.s32 @p2 $0x1082  }
0x22: {  	[simem:s7], [sflag:s8] =	dma.local @!p0 [hbm:s6], $0xF7A  }
0x23: {  	s9 =	sor.u32 $0xD0000000, s2;
	s6 =	simm.s32 $0x108;
	_ =	swait.ge @!p0 [sflag:s8], $0x0  }
0x24: {  	s3 =	sadd.s32 $0x88, s3;
	s6 =	simm.s32 @!p1 $0x1082;
	[sflag:s4] =	ssyncset.s32 $0xFFFFF086  }
0x25: {  	[simem:s6], [sflag:s4] =	dma.local [hbm:s3], $0xF7A  }
0x26: {  	[smem:$0x3F9A] =	sst s1;
	(tag) =	ssettag s2;
	_ =	strace s9  }
0x27: {  	s1 =	sld [smem:$0x3FAA]  }
0x28: {  	s2 =	sld [smem:$0x3FAB]  }
0x29: {  	s4 =	sld [smem:$0x3FAD]  }
0x2a: {  	p0 =	seq.s32 s5, $0x0;
	s5 =	sld [smem:$0x3FAE]  }
0x2b: {  	s6 =	sld [smem:$0x3FAF]  }
0x2c: {  	s7 =	sld [smem:$0x3FB0]  }
0x2d: {  	s3 =	simm.s32 $0x108;
	s8 =	sld [smem:$0x3FB1]  }
0x2e: {  	s3 =	simm.s32 @!p0 $0x1082;
	s9 =	sld [smem:$0x3FB2]  }
0x2f: {  	lr =	sadd.s32 s0, s3;
	s0 =	sld [smem:$0x3FA9]  }
0x30: {  	s3 =	sld [smem:$0x3FAC]  }
0x31: {  	[smem:$0x3FB5] =	sst s10  }
0x32: {  	s10 =	sld [smem:$0x3FB3];
	_ =	sdelay $0x3  }
0x33: {  	p0 =	seq.s32 s10, $0x1;
	s10 =	sld [smem:$0x3FB5];
	_ =	sdelay $0x3  }
0x34: {  	[smem:$0x3FB5] =	sst s10  }
0x35: {  	s10 =	sld [smem:$0x3FB4];
	_ =	sdelay $0x3  }
0x36: {  	p1 =	seq.s32 s10, $0x1;
	s10 =	sld [smem:$0x3FB5];
	_ =	sdelay $0x3  }
0x37: {  	[smem:$0x3FB5] =	sst s10  }
0x38: {  	s10 =	sld [smem:$0x3FB6]  }
0x39: {  	_ = 	snop;
	(pc) =	sbr.ind lr, $3  }
0x3a: {  	_ = 	snop  }
0x3b: {  	_ = 	snop  }
0x3c: {  	p2 =	seq.s32 s10, $0x1;
	s10 =	sld [smem:$0x3FB5]  }
0x3d: {  	_ =	shalt  }
0x3e: {  	_ =	shalt  }
0x3f: {  	_ =	shalt  }
0x40: {  	_ =	shalt  }
0x41: {  	_ =	shalt  }
0x42: {  	_ =	shalt  }
0x43: {  	_ =	shalt  }
0x44: {  	_ =	shalt  }
0x45: {  	_ =	shalt  }
0x46: {  	_ =	shalt  }
0x47: {  	_ =	shalt  }
0x48: {  	_ =	shalt  }
0x49: {  	_ =	shalt  }
0x4a: {  	_ =	shalt  }
0x4b: {  	_ =	shalt  }
0x4c: {  	_ =	shalt  }
0x4d: {  	_ =	shalt  }
0x4e: {  	_ =	shalt  }
0x4f: {  	_ =	shalt  }
0x50: {  	_ =	shalt  }
0x51: {  	_ =	shalt  }
0x52: {  	_ =	shalt  }
0x53: {  	_ =	shalt  }
0x54: {  	_ =	shalt  }
0x55: {  	_ =	shalt  }
0x56: {  	_ =	shalt  }
0x57: {  	_ =	shalt  }
0x58: {  	_ =	shalt  }
0x59: {  	_ =	shalt  }
0x5a: {  	_ =	shalt  }
0x5b: {  	_ =	shalt  }
0x5c: {  	_ =	shalt  }
0x5d: {  	_ =	shalt  }
0x5e: {  	_ =	shalt  }
0x5f: {  	_ =	shalt  }
0x60: {  	_ =	shalt  }
0x61: {  	_ =	shalt  }
0x62: {  	_ =	shalt  }
0x63: {  	_ =	shalt  }
0x64: {  	_ =	shalt  }
0x65: {  	_ =	shalt  }
0x66: {  	_ =	shalt  }
0x67: {  	_ =	shalt  }
0x68: {  	_ =	shalt  }
0x69: {  	_ =	shalt  }
0x6a: {  	_ =	shalt  }
0x6b: {  	_ =	shalt  }
0x6c: {  	_ =	shalt  }
0x6d: {  	_ =	shalt  }
0x6e: {  	_ =	shalt  }
0x6f: {  	_ =	shalt  }
0x70: {  	_ =	shalt  }
0x71: {  	_ =	shalt  }
0x72: {  	_ =	shalt  }
0x73: {  	_ =	shalt  }
0x74: {  	_ =	shalt  }
0x75: {  	_ =	shalt  }
0x76: {  	_ =	shalt  }
0x77: {  	_ =	shalt  }
0x78: {  	_ =	shalt  }
0x79: {  	_ =	shalt  }
0x7a: {  	_ =	shalt  }
0x7b: {  	_ =	shalt  }
0x7c: {  	_ =	shalt  }
0x7d: {  	_ =	shalt  }
0x7e: {  	_ =	shalt  }
0x7f: {  	_ =	shalt  }
0x80: {  	_ =	shalt  }
0x81: {  	_ =	shalt  }
0x82: {  	_ =	shalt  }
0x83: {  	_ =	shalt  }
0x84: {  	_ =	shalt  }
0x85: {  	_ =	shalt  }
0x86: {  	_ =	shalt  }
0x87: {  	_ =	shalt  }
.Lfunc_end0:
.L_simem_size_0:
called_computation_lowered:
.L_overlay_start_0:
0x88: {  	s2 =	sld [smem:$0x3FD9]  }
0x89: {  	s3 =	sld [smem:$0x3FFE];
	_ =	sdelay $0x1  }
0x8a: {  	s1 =	srdreg.scid  }
0x8b: {  	s0 =	sand.u32 $0x1, s1  }
0x8c: {  	s17 =	sshll.u32 s0, $0xA;
	s2 =	sadd.s32 s3, s2  }
0x8d: {  	s2 =	sadd.s32 s2, s17  }
0x8e: {  	[smem:$0x3FC1] =	sst s2  }
0x8f: {  	_ = 	snop  }
0x90: {  	s2 =	sld [smem:$0x3FC9]  }
0x91: {  	s18 =	sld [smem:$0x3FC8]  }
0x92: {  	s4 =	sld [smem:$0x3FC5]  }
0x93: {  	s5 =	sld [smem:$0x3FC4]  }
0x94: {  	s6 =	sld [smem:$0x3FC3]  }
0x95: {  	s7 =	sld [smem:$0x3FD0];
	(tm) =	ssettm $0x1  }
0x96: {  	s8 =	sld [smem:$0x3FFB];
	_ =	sdelay $0x3  }
0x97: {  	_ =	strace s8  }
0x98: {  	s8 =	sld [smem:$0x3FFC];
	_ =	sdelay $0x3  }
0x99: {  	_ =	strace s8  }
0x9a: {  	s8 =	sld [smem:$0x3FFD];
	_ =	sdelay $0x3  }
0x9b: {  	_ =	strace s8  }
0x9c: {  	_ =	strace $0x8FFFFFFF  }
0x9d: {  	s19 =	sld [smem:$0x3FDB];
	_ =	sdelay $0x1  }
0x9e: {  	s9 =	simm.s32 $_scs_section_size  }
0x9f: {  	s10 =	simm.s32 $_size__tile_overlayer_lowered;
	s11 =	simm.s32 $_tile_overlayer_lowered  }
0xa0: {  	s22 =	simm.s32 $0x1BFF;
	s21 =	sshll.u32 s11, $0x1;
	s8 =	sadd.s32 s9, s19  }
0xa1: {  	s12 =	simm.s32 $0x0;
	s20 =	sshll.u32 s10, $0x1;
	s10 =	sadd.s32 s21, s8  }
0xa2: {  	[timem:s12], [sflag:s22] =	dma.local [hbm:s10], s20  }
0xa3: {  	_ =	swait.ge [sflag:s22], s20  }
0xa4: {  	s9 =	ssub.s32 $0x0, s20;
	[sflag:s22] =	ssyncset.done $0x0  }
0xa5: {  	[sflag:s22] =	ssyncadd.s32 s9;
	_ =	sdelay $0x1  }
0xa6: {  	s23 =	simm.s32 $0x1B8B  }
0xa7: {  	_ =	swait.ge [sflag:s23], $0x1  }
0xa8: {  	[sflag:s23] =	ssyncset.done $0x0  }
0xa9: {  	s25 =	simm.s32 $0x1B8E;
	s24 =	sld [smem:$0x3FFE];
	[sflag:s23] =	ssyncadd.s32 $0xFFFFFFFF  }
0xaa: {  	s26 =	simm.s32 $execute0_lowered;
	[smem:$0x3FD2] =	sst s25  }
0xab: {  	s10 =	sshll.u32 s26, $0x1;
	_ =	strace $0x80000046;
	[dreg:$0x1] =	wrdreg $0xFFFFFFFF  }
0xac: {  	s28 =	simm.s32 $_size_execute0_lowered;
	s8 =	sadd.s32 s8, s10;
	[dreg:$0x0] =	wrdreg $0x0  }
0xad: {  	s10 =	sshll.u32 s28, $0x1;
	[dreg:$0x2] =	wrdreg s8  }
0xae: {  	[dreg:$0x3] =	wrdreg s10  }
0xaf: {  	[dreg:$0x4] =	wrdreg $0xC0  }
0xb0: {  	_ =	task [dreg:s12], $0x5FFFF  }
0xb1: {  	[dreg:$0x1] =	wrdreg $0xFFFFFFFF  }
0xb2: {  	[dreg:$0x0] =	wrdreg $0x60  }
0xb3: {  	[dreg:$0x2] =	wrdreg s2  }
0xb4: {  	[dreg:$0x3] =	wrdreg s18  }
0xb5: {  	[dreg:$0x4] =	wrdreg s24  }
0xb6: {  	[dreg:$0x5] =	wrdreg s4  }
0xb7: {  	[dreg:$0x6] =	wrdreg s5  }
0xb8: {  	[dreg:$0x7] =	wrdreg s6  }
0xb9: {  	[dreg:$0x8] =	wrdreg s7  }
0xba: {  	[dreg:$0x9] =	wrdreg $0x9  }
0xbb: {  	_ =	task.clear_ibuf [dreg:s12], $0xAFFFF;
	_ =	strace $0x90000046  }
0xbc: {  	s29 =	simm.s32 $0x9;
	_ =	strace $0x80000048  }
0xbd: {  	_ =	swait.ge [sflag:s29], $0x1  }
0xbe: {  	[sflag:s29] =	ssyncadd.s32 $0xFFFFFFFF  }
0xbf: {  	_ =	strace $0x90000048  }
0xc0: {  	_ =	sfence  }
0xc1: {  	s30 =	sld [smem:$0x0];
	_ =	sdelay $0x2  }
0xc2: {  	s31 =	sshll.u32 s1, $0xD;
	s1 =	sshrl.u32 s1, $0x2  }
0xc3: {  	s3 =	sand.u32 $0x4000, s31;
	s1 =	sadd.s32 s1, s30  }
0xc4: {  	s0 =	sor.u32 s3, s0;
	s1 =	sshll.u32 s1, $0x11  }
0xc5: {  	s0 =	sor.u32 s1, s0  }
0xc6: {  	s0 =	sadd.s32 $0x8F2B, s0  }
0xc7: {  	[sflag:s0] =	ssyncadd.remote.s32 $0x1  }
0xc8: {  	_ =	sfence.sel $0xFFFF  }
0xc9: {  	[dreg:$0x0] =	wrdreg $0xFFFFFFFF;
	(pc) =	sbr.abs _section_cstart, $3  }
0xca: {  	[dreg:$0x1] =	wrdreg $0xFFFFFFFF  }
0xcb: {  	_ =	task.clear_ibuf [dreg:s12], $0x2FFFF;
	_ =	strace $0x9FFFFFFF  }
0xcc: {  	(tm) =	ssettm $0x7FFFFFFF  }
0xcd: {  	_ =	shalt  }
tec
execute0_lowered:
.L_overlay_start_1:
0x0: {  	(tag) =	ssettag $0x1  }
0x1: {  	s0 =	rddreg [dreg:$0x0]  }
0x2: {  	s3 =	rddreg [dreg:$0x1]  }
0x3: {  	s5 =	rddreg [dreg:$0x2]  }
0x4: {  	s1 =	rddreg [dreg:$0x3]  }
0x5: {  	s2 =	rddreg [dreg:$0x4]  }
0x6: {  	s10 =	rddreg [dreg:$0x6];
	s4 =	simm.s32 $0x0;
	s7 =	srdreg.scid  }
0x7: {  	s9 =	stileid.u32;
	s12 =	simm.s32 $0x2;
	s13 =	simm.s32 $0x200  }
0x8: {  	s15 =	simm.s32 $0x80;
	s16 =	simm.s32 $0x400;
	s17 =	simm.s32 $0x4400  }
0x9: {  	s18 =	simm.s32 $0x8400;
	s19 =	simm.s32 $0x8600;
	s21 =	simm.s32 $0x280  }
0xa: {  	s25 =	simm.s32 $0x100;
	s28 =	simm.s32 $0x300;
	s20 =	simm.s32 $0x8580  }
0xb: {  	s22 =	simm.s32 $0x8780;
	s23 =	simm.s32 $0x1;
	s24 =	simm.s32 $0x8810  }
0xc: {  	s26 =	simm.s32 $0x0;
	[smem:$0x7FF] =	sst s4;
	s7 =	sand.u32 $0x1, s7  }
0xd: {  	s6 =	sadd.s32 $0xF42800, s5;
	s9 =	sshll.u32 s9, $0x7;
	s8 =	ssub.s32 $0x2, s7  }
0xe: {  	_ =	strace $0x80000047;
	s11 =	sshll.u32 s7, $0x6;
	s31 =	sshrl.u32 s8, $0x1  }
0xf: {  	s7 =	sadd.s32 $0x1313200, s5;
	s11 =	sor.u32 s11, s9;
	s5 =	ssub.s32 s8, s31  }
0x10: {  	v0 =	vlaneseq.u32;
	s8 =	sadd.s32 s0, s11;
	s9 =	sadd.s32 s3, s11;
	s10 =	sadd.s32 s10, s11  }
0x11: {  	v1 =	vand.u32 $0x7, v0;
	s0 =	simm.s32 $0x180;
	s3 =	simm.s32 $0x380;
	s11 =	smax.u32 s5, $0x1  }
.LBB2_1:
0x12: {  	[tilespmem:s4], [sflag:$0x2] =	stream.linear.gather [hbm4b:s8+s4], $0x200, $0x38;
	[tilespmem:$0x8A10] =	vst v63  }
0x13: {  	_ =	swait.ge [sflag:s12], $0x200  }
0x14: {  	[sflag:s12] =	ssyncset.done $0x0  }
0x15: {  	[sflag:s12] =	ssyncadd.s32 $0xFFFFFE00  }
0x16: {  	[tilespmem:s13], [sflag:$0x2] =	stream.linear.gather [hbm4b:s9+s4], $0x200, $0x38;
	[tilespmem:$0x8A10] =	vst v63  }
0x17: {  	_ =	swait.ge [sflag:s12], $0x200  }
0x18: {  	[sflag:s12] =	ssyncset.done $0x0  }
0x19: {  	[sflag:s12] =	ssyncadd.s32 $0xFFFFFE00  }
0x1a: {  	s14 =	simm.s32 $0x8800;
	s5 =	rddreg [dreg:$0x5]  }
0x1b: {  	[tilespmem:s14], [sflag:$0x2] =	stream.linear.gather [hbm4b:s5+s4], $0x10, $0x38;
	[tilespmem:$0x8A10] =	vst v63  }
0x1c: {  	_ =	swait.ge [sflag:s12], $0x10  }
0x1d: {  	[sflag:s12] =	ssyncset.done $0x0  }
0x1e: {  	[sflag:s12] =	ssyncadd.s32 $0xFFFFFFF0  }
0x1f: {  	v2 =	vld [tilespmem:$0x8800];
	[tilespmem:s16], [sflag:$0x1] =	stream.indirect.gather [hbm4b:s6+s15], $0x20, s4, s15, $0xb8  }
0x20: {  	_ = 	snop  }
0x21: {  	[tilespmem:s17], [sflag:$0x1] =	stream.indirect.gather [hbm4b:s7+s15], $0x20, s13, s15, $0xb8;
	[tilespmem:$0x8A10] =	vst v63  }
0x22: {  	_ = 	snop  }
0x23: {  	[tilespmem:s18], [sflag:$0x1] =	stream.indirect.gather [hbm4b:s1+s15], $0x1, s4, s15, $0xb8;
	[tilespmem:$0x8A10] =	vst v63  }
0x24: {  	_ = 	snop  }
0x25: {  	[tilespmem:s19], [sflag:$0x1] =	stream.indirect.gather [hbm4b:s2+s15], $0x1, s13, s15, $0xb8;
	[tilespmem:$0x8A10] =	vst v63  }
0x26: {  	s14 =	simm.s32 $0x1400  }
0x27: {  	[tilespmem:s14], [sflag:$0x1] =	stream.indirect.gather [hbm4b:s6+s15], $0x20, s15, s15, $0xb8;
	[tilespmem:$0x8A10] =	vst v63  }
0x28: {  	s14 =	simm.s32 $0x5400  }
0x29: {  	[tilespmem:s14], [sflag:$0x1] =	stream.indirect.gather [hbm4b:s7+s15], $0x20, s21, s15, $0xb8;
	[tilespmem:$0x8A10] =	vst v63  }
0x2a: {  	s14 =	simm.s32 $0x8480  }
0x2b: {  	[tilespmem:s14], [sflag:$0x1] =	stream.indirect.gather [hbm4b:s1+s15], $0x1, s15, s15, $0xb8;
	[tilespmem:$0x8A10] =	vst v63  }
0x2c: {  	s14 =	simm.s32 $0x8680  }
0x2d: {  	[tilespmem:s14], [sflag:$0x1] =	stream.indirect.gather [hbm4b:s2+s15], $0x1, s21, s15, $0xb8;
	[tilespmem:$0x8A10] =	vst v63  }
0x2e: {  	s14 =	simm.s32 $0x2400  }
0x2f: {  	[tilespmem:s14], [sflag:$0x1] =	stream.indirect.gather [hbm4b:s6+s15], $0x20, s25, s15, $0xb8;
	[tilespmem:$0x8A10] =	vst v63  }
0x30: {  	s14 =	simm.s32 $0x6400  }
0x31: {  	[tilespmem:s14], [sflag:$0x1] =	stream.indirect.gather [hbm4b:s7+s15], $0x20, s28, s15, $0xb8;
	[tilespmem:$0x8A10] =	vst v63  }
0x32: {  	s14 =	simm.s32 $0x8500  }
0x33: {  	[tilespmem:s14], [sflag:$0x1] =	stream.indirect.gather [hbm4b:s1+s15], $0x1, s25, s15, $0xb8;
	[tilespmem:$0x8A10] =	vst v63  }
0x34: {  	s14 =	simm.s32 $0x8700  }
0x35: {  	[tilespmem:s14], [sflag:$0x1] =	stream.indirect.gather [hbm4b:s2+s15], $0x1, s28, s15, $0xb8;
	[tilespmem:$0x8A10] =	vst v63  }
0x36: {  	s14 =	simm.s32 $0x3400  }
0x37: {  	[tilespmem:s14], [sflag:$0x1] =	stream.indirect.gather [hbm4b:s6+s15], $0x20, s0, s15, $0xb8;
	[tilespmem:$0x8A10] =	vst v63  }
0x38: {  	s14 =	simm.s32 $0x7400  }
0x39: {  	[tilespmem:s14], [sflag:$0x1] =	stream.indirect.gather [hbm4b:s7+s15], $0x20, s3, s15, $0xb8;
	[tilespmem:$0x8A10] =	vst v63  }
0x3a: {  	_ = 	snop  }
0x3b: {  	[tilespmem:s20], [sflag:$0x1] =	stream.indirect.gather [hbm4b:s1+s15], $0x1, s0, s15, $0xb8;
	[tilespmem:$0x8A10] =	vst v63  }
0x3c: {  	_ = 	snop  }
0x3d: {  	[tilespmem:s22], [sflag:$0x1] =	stream.indirect.gather [hbm4b:s2+s15], $0x1, s3, s15, $0xb8;
	[tilespmem:$0x8A10] =	vst v63  }
0x3e: {  	_ =	swait.ge [sflag:s23], $0x1000  }
0x3f: {  	[sflag:s23] =	ssyncset.done $0x0  }
0x40: {  	[sflag:s23] =	ssyncadd.s32 $0xFFFFF000  }
0x41: {  	_ =	swait.ge [sflag:s23], $0x1000  }
0x42: {  	[sflag:s23] =	ssyncset.done $0x0  }
0x43: {  	[sflag:s23] =	ssyncadd.s32 $0xFFFFF000  }
0x44: {  	_ =	swait.ge [sflag:s23], $0x80  }
0x45: {  	[sflag:s23] =	ssyncset.done $0x0  }
0x46: {  	[sflag:s23] =	ssyncadd.s32 $0xFFFFFF80  }
0x47: {  	_ =	swait.ge [sflag:s23], $0x80  }
0x48: {  	[sflag:s23] =	ssyncset.done $0x0  }
0x49: {  	[sflag:s23] =	ssyncadd.s32 $0xFFFFFF80  }
0x4a: {  	_ =	swait.ge [sflag:s23], $0x1000  }
0x4b: {  	[sflag:s23] =	ssyncset.done $0x0  }
0x4c: {  	[sflag:s23] =	ssyncadd.s32 $0xFFFFF000  }
0x4d: {  	_ =	swait.ge [sflag:s23], $0x1000  }
0x4e: {  	[sflag:s23] =	ssyncset.done $0x0  }
0x4f: {  	[sflag:s23] =	ssyncadd.s32 $0xFFFFF000  }
0x50: {  	_ =	swait.ge [sflag:s23], $0x80  }
0x51: {  	[sflag:s23] =	ssyncset.done $0x0  }
0x52: {  	[sflag:s23] =	ssyncadd.s32 $0xFFFFFF80  }
0x53: {  	_ =	swait.ge [sflag:s23], $0x80  }
0x54: {  	[sflag:s23] =	ssyncset.done $0x0  }
0x55: {  	[sflag:s23] =	ssyncadd.s32 $0xFFFFFF80  }
0x56: {  	_ =	swait.ge [sflag:s23], $0x1000  }
0x57: {  	[sflag:s23] =	ssyncset.done $0x0  }
0x58: {  	[sflag:s23] =	ssyncadd.s32 $0xFFFFF000  }
0x59: {  	_ =	swait.ge [sflag:s23], $0x1000  }
0x5a: {  	[sflag:s23] =	ssyncset.done $0x0  }
0x5b: {  	[sflag:s23] =	ssyncadd.s32 $0xFFFFF000  }
0x5c: {  	_ =	swait.ge [sflag:s23], $0x80  }
0x5d: {  	[sflag:s23] =	ssyncset.done $0x0  }
0x5e: {  	[sflag:s23] =	ssyncadd.s32 $0xFFFFFF80  }
0x5f: {  	_ =	swait.ge [sflag:s23], $0x80  }
0x60: {  	[sflag:s23] =	ssyncset.done $0x0  }
0x61: {  	[sflag:s23] =	ssyncadd.s32 $0xFFFFFF80  }
0x62: {  	_ =	swait.ge [sflag:s23], $0x1000  }
0x63: {  	[sflag:s23] =	ssyncset.done $0x0  }
0x64: {  	[sflag:s23] =	ssyncadd.s32 $0xFFFFF000  }
0x65: {  	s29 =	simm.s32 $0x0;
	s30 =	sand.u32 $0x70, s4;
	_ =	swait.ge [sflag:s23], $0x1000  }
0x66: {  	v3 =	vor.u32 s30, v0;
	v4 =	vmov s29;
	[sflag:s23] =	ssyncset.done $0x0  }
0x67: {  	v5 =	vand.u32 $0x78, v3;
	v6 =	vshll.u32 v4, $0x7;
	[sflag:s23] =	ssyncadd.s32 $0xFFFFF000  }
0x68: {  	v5 =	vor.u32 v6, v5;
	_ =	swait.ge [sflag:s23], $0x80  }
0x69: {  	v5 =	vor.u32 v1, v5;
	[sflag:s23] =	ssyncset.done $0x0  }
0x6a: {  	v4 =	vshll.u32 v4, $0xC;
	v3 =	vshll.u32 v3, $0x5;
	[sflag:s23] =	ssyncadd.s32 $0xFFFFFF80  }
0x6b: {  	v3 =	vor.u32 v4, v3;
	_ =	swait.ge [sflag:s23], $0x80  }
0x6c: {  	[sflag:s23] =	ssyncset.done $0x0  }
0x6d: {  	v4 =	vor.u32 $0x1, v3;
	[sflag:s23] =	ssyncadd.s32 $0xFFFFFF80  }
0x6e: {  	v6 =	vld.idx.msk [tilespmem:v5+s19+$0x0], $0xffff  }
0x6f: {  	v7 =	vor.u32 $0x2, v3;
	v5 =	vld.idx.msk [tilespmem:v5+s18+$0x0], $0xffff  }
0x70: {  	v8 =	vld.idx.msk [tilespmem:v3+s16+$0x0], $0xffff  }
0x71: {  	v10 =	vor.u32 $0x3, v3;
	v9 =	vld.idx.msk [tilespmem:v3+s17+$0x0], $0xffff  }
0x72: {  	v11 =	vld.idx.msk [tilespmem:v4+s16+$0x0], $0xffff  }
0x73: {  	v12 =	vor.u32 $0x4, v3;
	v4 =	vld.idx.msk [tilespmem:v4+s17+$0x0], $0xffff  }
0x74: {  	v13 =	vld.idx.msk [tilespmem:v7+s16+$0x0], $0xffff  }
0x75: {  	v14 =	vor.u32 $0x5, v3;
	v7 =	vld.idx.msk [tilespmem:v7+s17+$0x0], $0xffff  }
0x76: {  	v15 =	vld.idx.msk [tilespmem:v10+s16+$0x0], $0xffff;
	v5 =	vadd.f32 v6, v5;
	v6 =	vmul.f32 v9, v8  }
0x77: {  	v23 =	vor.u32 $0x6, v3;
	v22 =	vld.idx.msk [tilespmem:v10+s17+$0x0], $0xffff  }
0x78: {  	v24 =	vld.idx.msk [tilespmem:v12+s16+$0x0], $0xffff;
	v4 =	vmul.f32 v4, v11;
	v5 =	vadd.f32 v6, v5  }
0x79: {  	v25 =	vor.u32 $0x7, v3;
	v6 =	vld.idx.msk [tilespmem:v12+s17+$0x0], $0xffff  }
0x7a: {  	v26 =	vld.idx.msk [tilespmem:v14+s16+$0x0], $0xffff;
	v4 =	vadd.f32 v4, v5;
	v5 =	vmul.f32 v7, v13  }
0x7b: {  	v27 =	vor.u32 $0x8, v3;
	v7 =	vld.idx.msk [tilespmem:v14+s17+$0x0], $0xffff  }
0x7c: {  	v28 =	vld.idx.msk [tilespmem:v23+s16+$0x0], $0xffff;
	v4 =	vadd.f32 v5, v4;
	v5 =	vmul.f32 v22, v15  }
0x7d: {  	v30 =	vor.u32 $0x9, v3;
	v29 =	vld.idx.msk [tilespmem:v23+s17+$0x0], $0xffff  }
0x7e: {  	v31 =	vld.idx.msk [tilespmem:v25+s16+$0x0], $0xffff;
	v4 =	vadd.f32 v5, v4;
	v5 =	vmul.f32 v6, v24  }
0x7f: {  	v32 =	vor.u32 $0xA, v3;
	v6 =	vld.idx.msk [tilespmem:v25+s17+$0x0], $0xffff  }
0x80: {  	v33 =	vld.idx.msk [tilespmem:v27+s16+$0x0], $0xffff;
	v4 =	vadd.f32 v5, v4;
	v5 =	vmul.f32 v7, v26  }
0x81: {  	v34 =	vor.u32 $0xB, v3;
	v7 =	vld.idx.msk [tilespmem:v27+s17+$0x0], $0xffff  }
0x82: {  	v35 =	vld.idx.msk [tilespmem:v30+s16+$0x0], $0xffff;
	v4 =	vadd.f32 v5, v4;
	v5 =	vmul.f32 v29, v28  }
0x83: {  	v37 =	vor.u32 $0xC, v3;
	v36 =	vld.idx.msk [tilespmem:v30+s17+$0x0], $0xffff  }
0x84: {  	v38 =	vld.idx.msk [tilespmem:v32+s16+$0x0], $0xffff;
	v4 =	vadd.f32 v5, v4;
	v5 =	vmul.f32 v6, v31  }
0x85: {  	v39 =	vor.u32 $0xD, v3;
	v6 =	vld.idx.msk [tilespmem:v32+s17+$0x0], $0xffff  }
0x86: {  	v40 =	vld.idx.msk [tilespmem:v34+s16+$0x0], $0xffff;
	v4 =	vadd.f32 v5, v4;
	v5 =	vmul.f32 v7, v33  }
0x87: {  	v41 =	vor.u32 $0xE, v3;
	v7 =	vld.idx.msk [tilespmem:v34+s17+$0x0], $0xffff  }
0x88: {  	v42 =	vld.idx.msk [tilespmem:v37+s16+$0x0], $0xffff;
	v4 =	vadd.f32 v5, v4;
	v5 =	vmul.f32 v36, v35  }
0x89: {  	v44 =	vor.u32 $0xF, v3;
	v43 =	vld.idx.msk [tilespmem:v37+s17+$0x0], $0xffff  }
0x8a: {  	v45 =	vld.idx.msk [tilespmem:v39+s16+$0x0], $0xffff;
	v4 =	vadd.f32 v5, v4;
	v5 =	vmul.f32 v6, v38  }
0x8b: {  	v46 =	vor.u32 $0x10, v3;
	v6 =	vld.idx.msk [tilespmem:v39+s17+$0x0], $0xffff  }
0x8c: {  	v47 =	vld.idx.msk [tilespmem:v41+s16+$0x0], $0xffff;
	v4 =	vadd.f32 v5, v4;
	v5 =	vmul.f32 v7, v40  }
0x8d: {  	v48 =	vor.u32 $0x11, v3;
	v7 =	vld.idx.msk [tilespmem:v41+s17+$0x0], $0xffff  }
0x8e: {  	v49 =	vld.idx.msk [tilespmem:v44+s16+$0x0], $0xffff;
	v4 =	vadd.f32 v5, v4;
	v5 =	vmul.f32 v43, v42  }
0x8f: {  	v51 =	vor.u32 $0x12, v3;
	v50 =	vld.idx.msk [tilespmem:v44+s17+$0x0], $0xffff  }
0x90: {  	v52 =	vld.idx.msk [tilespmem:v46+s16+$0x0], $0xffff;
	v4 =	vadd.f32 v5, v4;
	v5 =	vmul.f32 v6, v45  }
0x91: {  	v53 =	vor.u32 $0x13, v3;
	v6 =	vld.idx.msk [tilespmem:v46+s17+$0x0], $0xffff  }
0x92: {  	v54 =	vld.idx.msk [tilespmem:v48+s16+$0x0], $0xffff;
	v4 =	vadd.f32 v5, v4;
	v5 =	vmul.f32 v7, v47  }
0x93: {  	v55 =	vor.u32 $0x14, v3;
	v7 =	vld.idx.msk [tilespmem:v48+s17+$0x0], $0xffff  }
0x94: {  	v56 =	vld.idx.msk [tilespmem:v51+s16+$0x0], $0xffff;
	v4 =	vadd.f32 v5, v4;
	v5 =	vmul.f32 v50, v49  }
0x95: {  	v58 =	vor.u32 $0x15, v3;
	v57 =	vld.idx.msk [tilespmem:v51+s17+$0x0], $0xffff  }
0x96: {  	v59 =	vld.idx.msk [tilespmem:v53+s16+$0x0], $0xffff;
	v4 =	vadd.f32 v5, v4;
	v5 =	vmul.f32 v6, v52  }
0x97: {  	v60 =	vor.u32 $0x16, v3;
	v6 =	vld.idx.msk [tilespmem:v53+s17+$0x0], $0xffff  }
0x98: {  	v61 =	vld.idx.msk [tilespmem:v55+s16+$0x0], $0xffff;
	v4 =	vadd.f32 v5, v4;
	v5 =	vmul.f32 v7, v54  }
0x99: {  	v62 =	vor.u32 $0x17, v3;
	v7 =	vld.idx.msk [tilespmem:v55+s17+$0x0], $0xffff  }
0x9a: {  	v63 =	vld.idx.msk [tilespmem:v58+s16+$0x0], $0xffff;
	v4 =	vadd.f32 v5, v4;
	v5 =	vmul.f32 v57, v56  }
0x9b: {  	v19 =	vor.u32 $0x18, v3;
	v18 =	vld.idx.msk [tilespmem:v58+s17+$0x0], $0xffff  }
0x9c: {  	v20 =	vld.idx.msk [tilespmem:v60+s16+$0x0], $0xffff;
	v4 =	vadd.f32 v5, v4;
	v5 =	vmul.f32 v6, v59  }
0x9d: {  	v21 =	vor.u32 $0x19, v3;
	v6 =	vld.idx.msk [tilespmem:v60+s17+$0x0], $0xffff  }
0x9e: {  	v22 =	vld.idx.msk [tilespmem:v62+s16+$0x0], $0xffff;
	v4 =	vadd.f32 v5, v4;
	v5 =	vmul.f32 v7, v61  }
0x9f: {  	v23 =	vor.u32 $0x1A, v3;
	v7 =	vld.idx.msk [tilespmem:v62+s17+$0x0], $0xffff  }
0xa0: {  	v24 =	vld.idx.msk [tilespmem:v19+s16+$0x0], $0xffff;
	v4 =	vadd.f32 v5, v4;
	v5 =	vmul.f32 v18, v63  }
0xa1: {  	v25 =	vld.idx.msk [tilespmem:v19+s17+$0x0], $0xffff;
	v26 =	vor.u32 $0x1B, v3  }
0xa2: {  	v27 =	vld.idx.msk [tilespmem:v21+s16+$0x0], $0xffff;
	v4 =	vadd.f32 v5, v4;
	v5 =	vmul.f32 v6, v20  }
0xa3: {  	v28 =	vor.u32 $0x1C, v3;
	v6 =	vld.idx.msk [tilespmem:v21+s17+$0x0], $0xffff  }
0xa4: {  	v29 =	vld.idx.msk [tilespmem:v23+s16+$0x0], $0xffff;
	v4 =	vadd.f32 v5, v4;
	v5 =	vmul.f32 v7, v22  }
0xa5: {  	v30 =	vor.u32 $0x1D, v3;
	v7 =	vld.idx.msk [tilespmem:v23+s17+$0x0], $0xffff  }
0xa6: {  	v31 =	vld.idx.msk [tilespmem:v26+s16+$0x0], $0xffff;
	v4 =	vadd.f32 v5, v4;
	v5 =	vmul.f32 v25, v24  }
0xa7: {  	v32 =	vld.idx.msk [tilespmem:v26+s17+$0x0], $0xffff;
	v33 =	vor.u32 $0x1E, v3  }
0xa8: {  	v34 =	vld.idx.msk [tilespmem:v28+s16+$0x0], $0xffff;
	v4 =	vadd.f32 v5, v4;
	v5 =	vmul.f32 v6, v27  }
0xa9: {  	v3 =	vor.u32 $0x1F, v3;
	v6 =	vld.idx.msk [tilespmem:v28+s17+$0x0], $0xffff  }
0xaa: {  	v35 =	vld.idx.msk [tilespmem:v30+s16+$0x0], $0xffff;
	v4 =	vadd.f32 v5, v4;
	v5 =	vmul.f32 v7, v29  }
0xab: {  	v7 =	vld.idx.msk [tilespmem:v30+s17+$0x0], $0xffff  }
0xac: {  	v36 =	vld.idx.msk [tilespmem:v33+s16+$0x0], $0xffff;
	v4 =	vadd.f32 v5, v4;
	v5 =	vmul.f32 v32, v31  }
0xad: {  	v37 =	vld.idx.msk [tilespmem:v33+s17+$0x0], $0xffff  }
0xae: {  	v38 =	vld.idx.msk [tilespmem:v3+s16+$0x0], $0xffff;
	v4 =	vadd.f32 v5, v4;
	v5 =	vmul.f32 v6, v34  }
0xaf: {  	v3 =	vld.idx.msk [tilespmem:v3+s17+$0x0], $0xffff  }
0xb0: {  	v4 =	vadd.f32 v5, v4;
	v5 =	vmul.f32 v7, v35;
	_ =	sdelay $0x1  }
0xb1: {  	v4 =	vadd.f32 v5, v4;
	v5 =	vmul.f32 v37, v36;
	_ =	sdelay $0x1  }
0xb2: {  	v3 =	vmul.f32 v3, v38;
	v4 =	vadd.f32 v5, v4;
	_ =	sdelay $0x1  }
0xb3: {  	v3 =	vadd.f32 v3, v4;
	_ =	sdelay $0x1  }
0xb4: {  	v3 =	vadd.f32 v3, v2;
	_ =	sdelay $0x1  }
0xb5: {  	v3 =	vmul.f32 $-2.000000000e+00, v3;
	_ =	sdelay $0x1  }
0xb6: {  	v3 =	vmul.f32 $1.442695020e+00, v3;
	_ =	sdelay $0x1  }
0xb7: {  	(erf) = vpow2.f32 v3;
	_ =	sdelay $0x8  }
0xb8: {  	v3 =	vpop (erf)  }
0xb9: {  	v3 =	vadd.f32 $1.000000000e+00, v3;
	_ =	sdelay $0x1  }
0xba: {  	(erf) = vrcp.f32 v3;
	_ =	sdelay $0x2  }
0xbb: {  	s29 =	simm.s32 $0x10  }
0xbc: {  	s30 =	simm.s32 $0x0;
	s29 =	sand.u32 $0x70, s29  }
0xbd: {  	v4 =	vmov s30;
	v3 =	vor.u32 s29, v0  }
0xbe: {  	v6 =	vshll.u32 v4, $0x7;
	v5 =	vand.u32 $0x78, v3  }
0xbf: {  	v5 =	vor.u32 v6, v5  }
0xc0: {  	v5 =	vor.u32 v1, v5  }
0xc1: {  	v4 =	vshll.u32 v4, $0xC;
	v3 =	vshll.u32 v3, $0x5;
	v6 =	vpop (erf)  }
0xc2: {  	v3 =	vor.u32 v4, v3;
	v4 =	vmul.f32 $5.000000000e+00, v6;
	_ =	sdelay $0x1  }
0xc3: {  	v6 =	vor.u32 $0x1, v3;
	[tilespmem:s24+$0x0] =	vst v4  }
0xc4: {  	v4 =	vld.idx.msk [tilespmem:v5+s19+$0x0], $0xffff  }
0xc5: {  	v7 =	vor.u32 $0x2, v3;
	v5 =	vld.idx.msk [tilespmem:v5+s18+$0x0], $0xffff  }
0xc6: {  	v39 =	vld.idx.msk [tilespmem:v3+s16+$0x0], $0xffff  }
0xc7: {  	v41 =	vor.u32 $0x3, v3;
	v40 =	vld.idx.msk [tilespmem:v3+s17+$0x0], $0xffff  }
0xc8: {  	v42 =	vld.idx.msk [tilespmem:v6+s16+$0x0], $0xffff  }
0xc9: {  	v43 =	vor.u32 $0x4, v3;
	v6 =	vld.idx.msk [tilespmem:v6+s17+$0x0], $0xffff  }
0xca: {  	v44 =	vld.idx.msk [tilespmem:v7+s16+$0x0], $0xffff  }
0xcb: {  	v45 =	vor.u32 $0x5, v3;
	v7 =	vld.idx.msk [tilespmem:v7+s17+$0x0], $0xffff  }
0xcc: {  	v46 =	vld.idx.msk [tilespmem:v41+s16+$0x0], $0xffff;
	v4 =	vadd.f32 v4, v5;
	v5 =	vmul.f32 v40, v39  }
0xcd: {  	v48 =	vor.u32 $0x6, v3;
	v47 =	vld.idx.msk [tilespmem:v41+s17+$0x0], $0xffff  }
0xce: {  	v49 =	vld.idx.msk [tilespmem:v43+s16+$0x0], $0xffff;
	v4 =	vadd.f32 v5, v4;
	v5 =	vmul.f32 v6, v42  }
0xcf: {  	v50 =	vor.u32 $0x7, v3;
	v6 =	vld.idx.msk [tilespmem:v43+s17+$0x0], $0xffff  }
0xd0: {  	v51 =	vld.idx.msk [tilespmem:v45+s16+$0x0], $0xffff;
	v4 =	vadd.f32 v5, v4;
	v5 =	vmul.f32 v7, v44  }
0xd1: {  	v52 =	vor.u32 $0x8, v3;
	v7 =	vld.idx.msk [tilespmem:v45+s17+$0x0], $0xffff  }
0xd2: {  	v53 =	vld.idx.msk [tilespmem:v48+s16+$0x0], $0xffff;
	v4 =	vadd.f32 v5, v4;
	v5 =	vmul.f32 v47, v46  }
0xd3: {  	v55 =	vor.u32 $0x9, v3;
	v54 =	vld.idx.msk [tilespmem:v48+s17+$0x0], $0xffff  }
0xd4: {  	v56 =	vld.idx.msk [tilespmem:v50+s16+$0x0], $0xffff;
	v4 =	vadd.f32 v5, v4;
	v5 =	vmul.f32 v6, v49  }
0xd5: {  	v57 =	vor.u32 $0xA, v3;
	v6 =	vld.idx.msk [tilespmem:v50+s17+$0x0], $0xffff  }
0xd6: {  	v58 =	vld.idx.msk [tilespmem:v52+s16+$0x0], $0xffff;
	v4 =	vadd.f32 v5, v4;
	v5 =	vmul.f32 v7, v51  }
0xd7: {  	v59 =	vor.u32 $0xB, v3;
	v7 =	vld.idx.msk [tilespmem:v52+s17+$0x0], $0xffff  }
0xd8: {  	v60 =	vld.idx.msk [tilespmem:v55+s16+$0x0], $0xffff;
	v4 =	vadd.f32 v5, v4;
	v5 =	vmul.f32 v54, v53  }
0xd9: {  	v62 =	vor.u32 $0xC, v3;
	v61 =	vld.idx.msk [tilespmem:v55+s17+$0x0], $0xffff  }
0xda: {  	v63 =	vld.idx.msk [tilespmem:v57+s16+$0x0], $0xffff;
	v4 =	vadd.f32 v5, v4;
	v5 =	vmul.f32 v6, v56  }
0xdb: {  	v18 =	vor.u32 $0xD, v3;
	v6 =	vld.idx.msk [tilespmem:v57+s17+$0x0], $0xffff  }
0xdc: {  	v19 =	vld.idx.msk [tilespmem:v59+s16+$0x0], $0xffff;
	v4 =	vadd.f32 v5, v4;
	v5 =	vmul.f32 v7, v58  }
0xdd: {  	v20 =	vor.u32 $0xE, v3;
	v7 =	vld.idx.msk [tilespmem:v59+s17+$0x0], $0xffff  }
0xde: {  	v21 =	vld.idx.msk [tilespmem:v62+s16+$0x0], $0xffff;
	v4 =	vadd.f32 v5, v4;
	v5 =	vmul.f32 v61, v60  }
0xdf: {  	v23 =	vor.u32 $0xF, v3;
	v22 =	vld.idx.msk [tilespmem:v62+s17+$0x0], $0xffff  }
0xe0: {  	v24 =	vld.idx.msk [tilespmem:v18+s16+$0x0], $0xffff;
	v4 =	vadd.f32 v5, v4;
	v5 =	vmul.f32 v6, v63  }
0xe1: {  	v25 =	vor.u32 $0x10, v3;
	v6 =	vld.idx.msk [tilespmem:v18+s17+$0x0], $0xffff  }
0xe2: {  	v26 =	vld.idx.msk [tilespmem:v20+s16+$0x0], $0xffff;
	v4 =	vadd.f32 v5, v4;
	v5 =	vmul.f32 v7, v19  }
0xe3: {  	v27 =	vor.u32 $0x11, v3;
	v7 =	vld.idx.msk [tilespmem:v20+s17+$0x0], $0xffff  }
0xe4: {  	v28 =	vld.idx.msk [tilespmem:v23+s16+$0x0], $0xffff;
	v4 =	vadd.f32 v5, v4;
	v5 =	vmul.f32 v22, v21  }
0xe5: {  	v30 =	vor.u32 $0x12, v3;
	v29 =	vld.idx.msk [tilespmem:v23+s17+$0x0], $0xffff  }
0xe6: {  	v31 =	vld.idx.msk [tilespmem:v25+s16+$0x0], $0xffff;
	v4 =	vadd.f32 v5, v4;
	v5 =	vmul.f32 v6, v24  }
0xe7: {  	v32 =	vor.u32 $0x13, v3;
	v6 =	vld.idx.msk [tilespmem:v25+s17+$0x0], $0xffff  }
0xe8: {  	v33 =	vld.idx.msk [tilespmem:v27+s16+$0x0], $0xffff;
	v4 =	vadd.f32 v5, v4;
	v5 =	vmul.f32 v7, v26  }
0xe9: {  	v34 =	vor.u32 $0x14, v3;
	v7 =	vld.idx.msk [tilespmem:v27+s17+$0x0], $0xffff  }
0xea: {  	v35 =	vld.idx.msk [tilespmem:v30+s16+$0x0], $0xffff;
	v4 =	vadd.f32 v5, v4;
	v5 =	vmul.f32 v29, v28  }
0xeb: {  	v37 =	vor.u32 $0x15, v3;
	v36 =	vld.idx.msk [tilespmem:v30+s17+$0x0], $0xffff  }
0xec: {  	v38 =	vld.idx.msk [tilespmem:v32+s16+$0x0], $0xffff;
	v4 =	vadd.f32 v5, v4;
	v5 =	vmul.f32 v6, v31  }
0xed: {  	v39 =	vor.u32 $0x16, v3;
	v6 =	vld.idx.msk [tilespmem:v32+s17+$0x0], $0xffff  }
0xee: {  	v40 =	vld.idx.msk [tilespmem:v34+s16+$0x0], $0xffff;
	v4 =	vadd.f32 v5, v4;
	v5 =	vmul.f32 v7, v33  }
0xef: {  	v41 =	vor.u32 $0x17, v3;
	v7 =	vld.idx.msk [tilespmem:v34+s17+$0x0], $0xffff  }
0xf0: {  	v42 =	vld.idx.msk [tilespmem:v37+s16+$0x0], $0xffff;
	v4 =	vadd.f32 v5, v4;
	v5 =	vmul.f32 v36, v35  }
0xf1: {  	v43 =	vld.idx.msk [tilespmem:v37+s17+$0x0], $0xffff;
	v44 =	vor.u32 $0x18, v3  }
0xf2: {  	v45 =	vld.idx.msk [tilespmem:v39+s16+$0x0], $0xffff;
	v4 =	vadd.f32 v5, v4;
	v5 =	vmul.f32 v6, v38  }
0xf3: {  	v46 =	vor.u32 $0x19, v3;
	v6 =	vld.idx.msk [tilespmem:v39+s17+$0x0], $0xffff  }
0xf4: {  	v47 =	vld.idx.msk [tilespmem:v41+s16+$0x0], $0xffff;
	v4 =	vadd.f32 v5, v4;
	v5 =	vmul.f32 v7, v40  }
0xf5: {  	v48 =	vor.u32 $0x1A, v3;
	v7 =	vld.idx.msk [tilespmem:v41+s17+$0x0], $0xffff  }
0xf6: {  	v49 =	vld.idx.msk [tilespmem:v44+s16+$0x0], $0xffff;
	v4 =	vadd.f32 v5, v4;
	v5 =	vmul.f32 v43, v42  }
0xf7: {  	v50 =	vld.idx.msk [tilespmem:v44+s17+$0x0], $0xffff;
	v51 =	vor.u32 $0x1B, v3  }
0xf8: {  	v52 =	vld.idx.msk [tilespmem:v46+s16+$0x0], $0xffff;
	v4 =	vadd.f32 v5, v4;
	v5 =	vmul.f32 v6, v45  }
0xf9: {  	v53 =	vor.u32 $0x1C, v3;
	v6 =	vld.idx.msk [tilespmem:v46+s17+$0x0], $0xffff  }
0xfa: {  	v54 =	vld.idx.msk [tilespmem:v48+s16+$0x0], $0xffff;
	v4 =	vadd.f32 v5, v4;
	v5 =	vmul.f32 v7, v47  }
0xfb: {  	v55 =	vor.u32 $0x1D, v3;
	v7 =	vld.idx.msk [tilespmem:v48+s17+$0x0], $0xffff  }
0xfc: {  	v56 =	vld.idx.msk [tilespmem:v51+s16+$0x0], $0xffff;
	v4 =	vadd.f32 v5, v4;
	v5 =	vmul.f32 v50, v49  }
0xfd: {  	v57 =	vld.idx.msk [tilespmem:v51+s17+$0x0], $0xffff;
	v58 =	vor.u32 $0x1E, v3  }
0xfe: {  	v59 =	vld.idx.msk [tilespmem:v53+s16+$0x0], $0xffff;
	v4 =	vadd.f32 v5, v4;
	v5 =	vmul.f32 v6, v52  }
0xff: {  	v3 =	vor.u32 $0x1F, v3;
	v6 =	vld.idx.msk [tilespmem:v53+s17+$0x0], $0xffff  }
0x100: {  	v60 =	vld.idx.msk [tilespmem:v55+s16+$0x0], $0xffff;
	v4 =	vadd.f32 v5, v4;
	v5 =	vmul.f32 v7, v54  }
0x101: {  	v7 =	vld.idx.msk [tilespmem:v55+s17+$0x0], $0xffff  }
0x102: {  	v61 =	vld.idx.msk [tilespmem:v58+s16+$0x0], $0xffff;
	v4 =	vadd.f32 v5, v4;
	v5 =	vmul.f32 v57, v56  }
0x103: {  	v62 =	vld.idx.msk [tilespmem:v58+s17+$0x0], $0xffff  }
0x104: {  	v63 =	vld.idx.msk [tilespmem:v3+s16+$0x0], $0xffff;
	v4 =	vadd.f32 v5, v4;
	v5 =	vmul.f32 v6, v59  }
0x105: {  	v3 =	vld.idx.msk [tilespmem:v3+s17+$0x0], $0xffff  }
0x106: {  	v4 =	vadd.f32 v5, v4;
	v5 =	vmul.f32 v7, v60;
	_ =	sdelay $0x1  }
0x107: {  	v4 =	vadd.f32 v5, v4;
	v5 =	vmul.f32 v62, v61;
	_ =	sdelay $0x1  }
0x108: {  	v3 =	vmul.f32 v3, v63;
	v4 =	vadd.f32 v5, v4;
	_ =	sdelay $0x1  }
0x109: {  	v3 =	vadd.f32 v3, v4;
	_ =	sdelay $0x1  }
0x10a: {  	v3 =	vadd.f32 v3, v2;
	_ =	sdelay $0x1  }
0x10b: {  	v3 =	vmul.f32 $-2.000000000e+00, v3;
	_ =	sdelay $0x1  }
0x10c: {  	v3 =	vmul.f32 $1.442695020e+00, v3;
	_ =	sdelay $0x1  }
0x10d: {  	(erf) = vpow2.f32 v3;
	_ =	sdelay $0x8  }
0x10e: {  	v3 =	vpop (erf)  }
0x10f: {  	v5 =	vadd.f32 $1.000000000e+00, v3;
	_ =	sdelay $0x1  }
0x110: {  	(erf) = vrcp.f32 v5;
	_ =	sdelay $0x2  }
0x111: {  	s29 =	simm.s32 $0x20  }
0x112: {  	s30 =	simm.s32 $0x0;
	s31 =	sand.u32 $0x70, s29  }
0x113: {  	v4 =	vmov s30;
	v3 =	vor.u32 s31, v0  }
0x114: {  	v7 =	vshll.u32 v4, $0x7;
	v6 =	vand.u32 $0x78, v3  }
0x115: {  	s30 =	simm.s32 $0x8810;
	s31 =	simm.s32 $0x3;
	v5 =	vor.u32 v7, v6  }
.LBB2_2:
0x116: {  	p0 =	sne.s32 s31, $0x1F;
	v5 =	vor.u32 v1, v5  }
0x117: {  	v4 =	vshll.u32 v4, $0xC;
	v3 =	vshll.u32 v3, $0x5;
	v6 =	vpop (erf)  }
0x118: {  	v3 =	vor.u32 v4, v3;
	v4 =	vmul.f32 $5.000000000e+00, v6  }
0x119: {  	s30 =	sadd.s32 $0x10, s30  }
0x11a: {  	v6 =	vor.u32 $0x1, v3;
	[tilespmem:s30+$0x0] =	vst v4  }
0x11b: {  	v4 =	vld.idx.msk [tilespmem:v5+s19+$0x0], $0xffff  }
0x11c: {  	v7 =	vor.u32 $0x2, v3;
	v5 =	vld.idx.msk [tilespmem:v5+s18+$0x0], $0xffff  }
0x11d: {  	v8 =	vld.idx.msk [tilespmem:v3+s16+$0x0], $0xffff  }
0x11e: {  	v10 =	vor.u32 $0x3, v3;
	v9 =	vld.idx.msk [tilespmem:v3+s17+$0x0], $0xffff  }
0x11f: {  	v11 =	vld.idx.msk [tilespmem:v6+s16+$0x0], $0xffff  }
0x120: {  	v12 =	vor.u32 $0x4, v3;
	v6 =	vld.idx.msk [tilespmem:v6+s17+$0x0], $0xffff  }
0x121: {  	v13 =	vld.idx.msk [tilespmem:v7+s16+$0x0], $0xffff  }
0x122: {  	v14 =	vor.u32 $0x5, v3;
	v7 =	vld.idx.msk [tilespmem:v7+s17+$0x0], $0xffff  }
0x123: {  	v15 =	vld.idx.msk [tilespmem:v10+s16+$0x0], $0xffff  }
0x124: {  	v4 =	vadd.f32 v4, v5;
	v5 =	vmul.f32 v9, v8;
	v9 =	vor.u32 $0x6, v3;
	v8 =	vld.idx.msk [tilespmem:v10+s17+$0x0], $0xffff  }
0x125: {  	v10 =	vld.idx.msk [tilespmem:v12+s16+$0x0], $0xffff  }
0x126: {  	v4 =	vadd.f32 v5, v4;
	v5 =	vmul.f32 v6, v11;
	v11 =	vor.u32 $0x7, v3;
	v6 =	vld.idx.msk [tilespmem:v12+s17+$0x0], $0xffff  }
0x127: {  	v12 =	vld.idx.msk [tilespmem:v14+s16+$0x0], $0xffff  }
0x128: {  	v4 =	vadd.f32 v5, v4;
	v5 =	vmul.f32 v7, v13;
	v13 =	vor.u32 $0x8, v3;
	v7 =	vld.idx.msk [tilespmem:v14+s17+$0x0], $0xffff  }
0x129: {  	v14 =	vld.idx.msk [tilespmem:v9+s16+$0x0], $0xffff  }
0x12a: {  	v4 =	vadd.f32 v5, v4;
	v5 =	vmul.f32 v8, v15;
	v8 =	vld.idx.msk [tilespmem:v9+s17+$0x0], $0xffff;
	v9 =	vor.u32 $0x9, v3  }
0x12b: {  	v15 =	vld.idx.msk [tilespmem:v11+s16+$0x0], $0xffff  }
0x12c: {  	v4 =	vadd.f32 v5, v4;
	v5 =	vmul.f32 v6, v10;
	v10 =	vor.u32 $0xA, v3;
	v6 =	vld.idx.msk [tilespmem:v11+s17+$0x0], $0xffff  }
0x12d: {  	v11 =	vld.idx.msk [tilespmem:v13+s16+$0x0], $0xffff  }
0x12e: {  	v4 =	vadd.f32 v5, v4;
	v5 =	vmul.f32 v7, v12;
	v12 =	vor.u32 $0xB, v3;
	v7 =	vld.idx.msk [tilespmem:v13+s17+$0x0], $0xffff  }
0x12f: {  	v13 =	vld.idx.msk [tilespmem:v9+s16+$0x0], $0xffff  }
0x130: {  	v4 =	vadd.f32 v5, v4;
	v5 =	vmul.f32 v8, v14;
	v8 =	vld.idx.msk [tilespmem:v9+s17+$0x0], $0xffff;
	v9 =	vor.u32 $0xC, v3  }
0x131: {  	v14 =	vld.idx.msk [tilespmem:v10+s16+$0x0], $0xffff  }
0x132: {  	v4 =	vadd.f32 v5, v4;
	v5 =	vmul.f32 v6, v15;
	v6 =	vld.idx.msk [tilespmem:v10+s17+$0x0], $0xffff;
	v10 =	vor.u32 $0xD, v3  }
0x133: {  	v15 =	vld.idx.msk [tilespmem:v12+s16+$0x0], $0xffff  }
0x134: {  	v4 =	vadd.f32 v5, v4;
	v5 =	vmul.f32 v7, v11;
	v11 =	vor.u32 $0xE, v3;
	v7 =	vld.idx.msk [tilespmem:v12+s17+$0x0], $0xffff  }
0x135: {  	v12 =	vld.idx.msk [tilespmem:v9+s16+$0x0], $0xffff  }
0x136: {  	v4 =	vadd.f32 v5, v4;
	v5 =	vmul.f32 v8, v13;
	v8 =	vld.idx.msk [tilespmem:v9+s17+$0x0], $0xffff;
	v9 =	vor.u32 $0xF, v3  }
0x137: {  	v13 =	vld.idx.msk [tilespmem:v10+s16+$0x0], $0xffff  }
0x138: {  	v4 =	vadd.f32 v5, v4;
	v5 =	vmul.f32 v6, v14;
	v6 =	vld.idx.msk [tilespmem:v10+s17+$0x0], $0xffff;
	v10 =	vor.u32 $0x10, v3  }
0x139: {  	v14 =	vld.idx.msk [tilespmem:v11+s16+$0x0], $0xffff  }
0x13a: {  	v4 =	vadd.f32 v5, v4;
	v5 =	vmul.f32 v7, v15;
	v7 =	vld.idx.msk [tilespmem:v11+s17+$0x0], $0xffff;
	v11 =	vor.u32 $0x11, v3  }
0x13b: {  	v15 =	vld.idx.msk [tilespmem:v9+s16+$0x0], $0xffff  }
0x13c: {  	v4 =	vadd.f32 v5, v4;
	v5 =	vmul.f32 v8, v12;
	v8 =	vld.idx.msk [tilespmem:v9+s17+$0x0], $0xffff;
	v9 =	vor.u32 $0x12, v3  }
0x13d: {  	v12 =	vld.idx.msk [tilespmem:v10+s16+$0x0], $0xffff  }
0x13e: {  	v4 =	vadd.f32 v5, v4;
	v5 =	vmul.f32 v6, v13;
	v6 =	vld.idx.msk [tilespmem:v10+s17+$0x0], $0xffff;
	v10 =	vor.u32 $0x13, v3  }
0x13f: {  	v13 =	vld.idx.msk [tilespmem:v11+s16+$0x0], $0xffff  }
0x140: {  	v4 =	vadd.f32 v5, v4;
	v5 =	vmul.f32 v7, v14;
	v7 =	vld.idx.msk [tilespmem:v11+s17+$0x0], $0xffff;
	v11 =	vor.u32 $0x14, v3  }
0x141: {  	v14 =	vld.idx.msk [tilespmem:v9+s16+$0x0], $0xffff  }
0x142: {  	v4 =	vadd.f32 v5, v4;
	v5 =	vmul.f32 v8, v15;
	v8 =	vld.idx.msk [tilespmem:v9+s17+$0x0], $0xffff;
	v9 =	vor.u32 $0x15, v3  }
0x143: {  	v15 =	vld.idx.msk [tilespmem:v10+s16+$0x0], $0xffff  }
0x144: {  	v4 =	vadd.f32 v5, v4;
	v5 =	vmul.f32 v6, v12;
	v6 =	vld.idx.msk [tilespmem:v10+s17+$0x0], $0xffff;
	v10 =	vor.u32 $0x16, v3  }
0x145: {  	v12 =	vld.idx.msk [tilespmem:v11+s16+$0x0], $0xffff  }
0x146: {  	v4 =	vadd.f32 v5, v4;
	v5 =	vmul.f32 v7, v13;
	v7 =	vld.idx.msk [tilespmem:v11+s17+$0x0], $0xffff;
	v11 =	vor.u32 $0x17, v3  }
0x147: {  	v13 =	vld.idx.msk [tilespmem:v9+s16+$0x0], $0xffff  }
0x148: {  	v4 =	vadd.f32 v5, v4;
	v5 =	vmul.f32 v8, v14;
	v8 =	vld.idx.msk [tilespmem:v9+s17+$0x0], $0xffff;
	v9 =	vor.u32 $0x18, v3  }
0x149: {  	v14 =	vld.idx.msk [tilespmem:v10+s16+$0x0], $0xffff  }
0x14a: {  	v4 =	vadd.f32 v5, v4;
	v5 =	vmul.f32 v6, v15;
	v6 =	vld.idx.msk [tilespmem:v10+s17+$0x0], $0xffff;
	v10 =	vor.u32 $0x19, v3  }
0x14b: {  	v15 =	vld.idx.msk [tilespmem:v11+s16+$0x0], $0xffff  }
0x14c: {  	v4 =	vadd.f32 v5, v4;
	v5 =	vmul.f32 v7, v12;
	v7 =	vld.idx.msk [tilespmem:v11+s17+$0x0], $0xffff;
	v11 =	vor.u32 $0x1A, v3  }
0x14d: {  	v12 =	vld.idx.msk [tilespmem:v9+s16+$0x0], $0xffff  }
0x14e: {  	v4 =	vadd.f32 v5, v4;
	v5 =	vmul.f32 v8, v13;
	v8 =	vld.idx.msk [tilespmem:v9+s17+$0x0], $0xffff;
	v9 =	vor.u32 $0x1B, v3  }
0x14f: {  	v13 =	vld.idx.msk [tilespmem:v10+s16+$0x0], $0xffff  }
0x150: {  	v4 =	vadd.f32 v5, v4;
	v5 =	vmul.f32 v6, v14;
	v6 =	vld.idx.msk [tilespmem:v10+s17+$0x0], $0xffff;
	v10 =	vor.u32 $0x1C, v3  }
0x151: {  	v14 =	vld.idx.msk [tilespmem:v11+s16+$0x0], $0xffff  }
0x152: {  	v4 =	vadd.f32 v5, v4;
	v5 =	vmul.f32 v7, v15;
	v7 =	vld.idx.msk [tilespmem:v11+s17+$0x0], $0xffff;
	v11 =	vor.u32 $0x1D, v3  }
0x153: {  	v15 =	vld.idx.msk [tilespmem:v9+s16+$0x0], $0xffff  }
0x154: {  	v4 =	vadd.f32 v5, v4;
	v5 =	vmul.f32 v8, v12;
	v8 =	vld.idx.msk [tilespmem:v9+s17+$0x0], $0xffff;
	v9 =	vor.u32 $0x1E, v3  }
0x155: {  	v12 =	vld.idx.msk [tilespmem:v10+s16+$0x0], $0xffff  }
0x156: {  	v3 =	vor.u32 $0x1F, v3;
	v4 =	vadd.f32 v5, v4;
	v5 =	vmul.f32 v6, v13;
	v6 =	vld.idx.msk [tilespmem:v10+s17+$0x0], $0xffff  }
0x157: {  	v10 =	vld.idx.msk [tilespmem:v11+s16+$0x0], $0xffff  }
0x158: {  	v4 =	vadd.f32 v5, v4;
	v5 =	vmul.f32 v7, v14;
	v7 =	vld.idx.msk [tilespmem:v11+s17+$0x0], $0xffff  }
0x159: {  	v11 =	vld.idx.msk [tilespmem:v9+s16+$0x0], $0xffff  }
0x15a: {  	v4 =	vadd.f32 v5, v4;
	v5 =	vmul.f32 v8, v15;
	v8 =	vld.idx.msk [tilespmem:v9+s17+$0x0], $0xffff  }
0x15b: {  	v9 =	vld.idx.msk [tilespmem:v3+s16+$0x0], $0xffff  }
0x15c: {  	v4 =	vadd.f32 v5, v4;
	v5 =	vmul.f32 v6, v12;
	v3 =	vld.idx.msk [tilespmem:v3+s17+$0x0], $0xffff;
	_ =	sdelay $0x1  }
0x15d: {  	v4 =	vadd.f32 v5, v4;
	v5 =	vmul.f32 v7, v10;
	_ =	sdelay $0x1  }
0x15e: {  	v4 =	vadd.f32 v5, v4;
	v5 =	vmul.f32 v8, v11;
	_ =	sdelay $0x1  }
0x15f: {  	v4 =	vadd.f32 v5, v4;
	v3 =	vmul.f32 v3, v9;
	_ =	sdelay $0x1  }
0x160: {  	v3 =	vadd.f32 v3, v4;
	_ =	sdelay $0x1  }
0x161: {  	v3 =	vadd.f32 v3, v2;
	_ =	sdelay $0x1  }
0x162: {  	v3 =	vmul.f32 $-2.000000000e+00, v3;
	_ =	sdelay $0x1  }
0x163: {  	v3 =	vmul.f32 $1.442695020e+00, v3;
	_ =	sdelay $0x1  }
0x164: {  	(erf) = vpow2.f32 v3;
	_ =	sdelay $0x8  }
0x165: {  	v3 =	vpop (erf)  }
0x166: {  	v3 =	vadd.f32 $1.000000000e+00, v3;
	_ =	sdelay $0x1  }
0x167: {  	(erf) = vrcp.f32 v3;
	_ =	sdelay $0x2  }
.Ltmp0:
0x168: {  	s29 =	sadd.s32 $0x10, s29;
	(pc) =	sbr.rel @p0 .LBB2_2-.Ltmp0, $4  }
0x169: {  	s5 =	sshrl.u32 s31, $0x3;
	s14 =	sand.u32 $0x70, s29  }
0x16a: {  	v4 =	vmov s5;
	v3 =	vor.u32 s14, v0  }
0x16b: {  	v6 =	vshll.u32 v4, $0x7;
	v5 =	vand.u32 $0x78, v3  }
0x16c: {  	s31 =	sadd.s32 $0x1, s31;
	v5 =	vor.u32 v6, v5  }
0x16d: {  	v5 =	vor.u32 v1, v5  }
0x16e: {  	v4 =	vshll.u32 v4, $0xC;
	v3 =	vshll.u32 v3, $0x5;
	v6 =	vpop (erf)  }
0x16f: {  	v3 =	vor.u32 v4, v3;
	v46 =	vmul.f32 $5.000000000e+00, v6  }
0x170: {  	s29 =	sadd.s32 $0x10, s30  }
0x171: {  	v47 =	vor.u32 $0x1, v3;
	[tilespmem:s29+$0x0] =	vst v46  }
0x172: {  	v4 =	vld.idx.msk [tilespmem:v5+s19+$0x0], $0xffff  }
0x173: {  	v7 =	vor.u32 $0x2, v3;
	v5 =	vld.idx.msk [tilespmem:v5+s18+$0x0], $0xffff  }
0x174: {  	v8 =	vld.idx.msk [tilespmem:v3+s16+$0x0], $0xffff  }
0x175: {  	v10 =	vor.u32 $0x3, v3;
	v9 =	vld.idx.msk [tilespmem:v3+s17+$0x0], $0xffff  }
0x176: {  	v11 =	vld.idx.msk [tilespmem:v47+s16+$0x0], $0xffff  }
0x177: {  	v12 =	vor.u32 $0x4, v3;
	v6 =	vld.idx.msk [tilespmem:v47+s17+$0x0], $0xffff  }
0x178: {  	v13 =	vld.idx.msk [tilespmem:v7+s16+$0x0], $0xffff  }
0x179: {  	v14 =	vor.u32 $0x5, v3;
	v7 =	vld.idx.msk [tilespmem:v7+s17+$0x0], $0xffff  }
0x17a: {  	v15 =	vld.idx.msk [tilespmem:v10+s16+$0x0], $0xffff;
	v4 =	vadd.f32 v4, v5;
	v48 =	vmul.f32 v9, v8  }
0x17b: {  	v50 =	vor.u32 $0x6, v3;
	v49 =	vld.idx.msk [tilespmem:v10+s17+$0x0], $0xffff  }
0x17c: {  	v51 =	vld.idx.msk [tilespmem:v12+s16+$0x0], $0xffff;
	v52 =	vmul.f32 v6, v11;
	v4 =	vadd.f32 v48, v4  }
0x17d: {  	v54 =	vor.u32 $0x7, v3;
	v53 =	vld.idx.msk [tilespmem:v12+s17+$0x0], $0xffff  }
0x17e: {  	v55 =	vld.idx.msk [tilespmem:v14+s16+$0x0], $0xffff;
	v56 =	vmul.f32 v7, v13;
	v4 =	vadd.f32 v52, v4  }
0x17f: {  	v58 =	vor.u32 $0x8, v3;
	v57 =	vld.idx.msk [tilespmem:v14+s17+$0x0], $0xffff  }
0x180: {  	v59 =	vld.idx.msk [tilespmem:v50+s16+$0x0], $0xffff;
	v60 =	vmul.f32 v49, v15;
	v4 =	vadd.f32 v56, v4  }
0x181: {  	v62 =	vor.u32 $0x9, v3;
	v61 =	vld.idx.msk [tilespmem:v50+s17+$0x0], $0xffff  }
0x182: {  	v63 =	vld.idx.msk [tilespmem:v54+s16+$0x0], $0xffff;
	v16 =	vmul.f32 v53, v51;
	v4 =	vadd.f32 v60, v4  }
0x183: {  	v18 =	vor.u32 $0xA, v3;
	v17 =	vld.idx.msk [tilespmem:v54+s17+$0x0], $0xffff  }
0x184: {  	v19 =	vld.idx.msk [tilespmem:v58+s16+$0x0], $0xffff;
	v20 =	vmul.f32 v57, v55;
	v4 =	vadd.f32 v16, v4  }
0x185: {  	v22 =	vor.u32 $0xB, v3;
	v21 =	vld.idx.msk [tilespmem:v58+s17+$0x0], $0xffff  }
0x186: {  	v23 =	vld.idx.msk [tilespmem:v62+s16+$0x0], $0xffff;
	v24 =	vmul.f32 v61, v59;
	v4 =	vadd.f32 v20, v4  }
0x187: {  	v26 =	vor.u32 $0xC, v3;
	v25 =	vld.idx.msk [tilespmem:v62+s17+$0x0], $0xffff  }
0x188: {  	v27 =	vld.idx.msk [tilespmem:v18+s16+$0x0], $0xffff;
	v28 =	vmul.f32 v17, v63;
	v4 =	vadd.f32 v24, v4  }
0x189: {  	v30 =	vor.u32 $0xD, v3;
	v29 =	vld.idx.msk [tilespmem:v18+s17+$0x0], $0xffff  }
0x18a: {  	v31 =	vld.idx.msk [tilespmem:v22+s16+$0x0], $0xffff;
	v32 =	vmul.f32 v21, v19;
	v4 =	vadd.f32 v28, v4  }
0x18b: {  	v34 =	vor.u32 $0xE, v3;
	v33 =	vld.idx.msk [tilespmem:v22+s17+$0x0], $0xffff  }
0x18c: {  	v35 =	vld.idx.msk [tilespmem:v26+s16+$0x0], $0xffff;
	v36 =	vmul.f32 v25, v23;
	v4 =	vadd.f32 v32, v4  }
0x18d: {  	v38 =	vor.u32 $0xF, v3;
	v37 =	vld.idx.msk [tilespmem:v26+s17+$0x0], $0xffff  }
0x18e: {  	v39 =	vld.idx.msk [tilespmem:v30+s16+$0x0], $0xffff;
	v40 =	vmul.f32 v29, v27;
	v4 =	vadd.f32 v36, v4  }
0x18f: {  	v42 =	vor.u32 $0x10, v3;
	v41 =	vld.idx.msk [tilespmem:v30+s17+$0x0], $0xffff  }
0x190: {  	v43 =	vld.idx.msk [tilespmem:v34+s16+$0x0], $0xffff;
	v44 =	vmul.f32 v33, v31;
	v4 =	vadd.f32 v40, v4  }
0x191: {  	v46 =	vor.u32 $0x11, v3;
	v45 =	vld.idx.msk [tilespmem:v34+s17+$0x0], $0xffff  }
0x192: {  	v47 =	vld.idx.msk [tilespmem:v38+s16+$0x0], $0xffff;
	v48 =	vmul.f32 v37, v35;
	v4 =	vadd.f32 v44, v4  }
0x193: {  	v50 =	vor.u32 $0x12, v3;
	v49 =	vld.idx.msk [tilespmem:v38+s17+$0x0], $0xffff  }
0x194: {  	v51 =	vld.idx.msk [tilespmem:v42+s16+$0x0], $0xffff;
	v52 =	vmul.f32 v41, v39;
	v4 =	vadd.f32 v48, v4  }
0x195: {  	v54 =	vor.u32 $0x13, v3;
	v53 =	vld.idx.msk [tilespmem:v42+s17+$0x0], $0xffff  }
0x196: {  	v55 =	vld.idx.msk [tilespmem:v46+s16+$0x0], $0xffff;
	v56 =	vmul.f32 v45, v43;
	v4 =	vadd.f32 v52, v4  }
0x197: {  	v58 =	vor.u32 $0x14, v3;
	v57 =	vld.idx.msk [tilespmem:v46+s17+$0x0], $0xffff  }
0x198: {  	v59 =	vld.idx.msk [tilespmem:v50+s16+$0x0], $0xffff;
	v60 =	vmul.f32 v49, v47;
	v4 =	vadd.f32 v56, v4  }
0x199: {  	v62 =	vor.u32 $0x15, v3;
	v61 =	vld.idx.msk [tilespmem:v50+s17+$0x0], $0xffff  }
0x19a: {  	v63 =	vld.idx.msk [tilespmem:v54+s16+$0x0], $0xffff;
	v16 =	vmul.f32 v53, v51;
	v4 =	vadd.f32 v60, v4  }
0x19b: {  	v18 =	vor.u32 $0x16, v3;
	v17 =	vld.idx.msk [tilespmem:v54+s17+$0x0], $0xffff  }
0x19c: {  	v19 =	vld.idx.msk [tilespmem:v58+s16+$0x0], $0xffff;
	v20 =	vmul.f32 v57, v55;
	v4 =	vadd.f32 v16, v4  }
0x19d: {  	v22 =	vor.u32 $0x17, v3;
	v21 =	vld.idx.msk [tilespmem:v58+s17+$0x0], $0xffff  }
0x19e: {  	v23 =	vld.idx.msk [tilespmem:v62+s16+$0x0], $0xffff;
	v24 =	vmul.f32 v61, v59;
	v4 =	vadd.f32 v20, v4  }
0x19f: {  	v26 =	vor.u32 $0x18, v3;
	v25 =	vld.idx.msk [tilespmem:v62+s17+$0x0], $0xffff  }
0x1a0: {  	v27 =	vld.idx.msk [tilespmem:v18+s16+$0x0], $0xffff;
	v28 =	vmul.f32 v17, v63;
	v4 =	vadd.f32 v24, v4  }
0x1a1: {  	v30 =	vor.u32 $0x19, v3;
	v29 =	vld.idx.msk [tilespmem:v18+s17+$0x0], $0xffff  }
0x1a2: {  	v31 =	vld.idx.msk [tilespmem:v22+s16+$0x0], $0xffff;
	v32 =	vmul.f32 v21, v19;
	v4 =	vadd.f32 v28, v4  }
0x1a3: {  	v34 =	vor.u32 $0x1A, v3;
	v33 =	vld.idx.msk [tilespmem:v22+s17+$0x0], $0xffff  }
0x1a4: {  	v35 =	vld.idx.msk [tilespmem:v26+s16+$0x0], $0xffff;
	v36 =	vmul.f32 v25, v23;
	v4 =	vadd.f32 v32, v4  }
0x1a5: {  	v38 =	vor.u32 $0x1B, v3;
	v37 =	vld.idx.msk [tilespmem:v26+s17+$0x0], $0xffff  }
0x1a6: {  	v39 =	vld.idx.msk [tilespmem:v30+s16+$0x0], $0xffff;
	v40 =	vmul.f32 v29, v27;
	v4 =	vadd.f32 v36, v4  }
0x1a7: {  	v42 =	vor.u32 $0x1C, v3;
	v41 =	vld.idx.msk [tilespmem:v30+s17+$0x0], $0xffff  }
0x1a8: {  	v43 =	vld.idx.msk [tilespmem:v34+s16+$0x0], $0xffff;
	v44 =	vmul.f32 v33, v31;
	v4 =	vadd.f32 v40, v4  }
0x1a9: {  	v46 =	vor.u32 $0x1D, v3;
	v45 =	vld.idx.msk [tilespmem:v34+s17+$0x0], $0xffff  }
0x1aa: {  	v47 =	vld.idx.msk [tilespmem:v38+s16+$0x0], $0xffff;
	v48 =	vmul.f32 v37, v35;
	v4 =	vadd.f32 v44, v4  }
0x1ab: {  	v50 =	vor.u32 $0x1E, v3;
	v49 =	vld.idx.msk [tilespmem:v38+s17+$0x0], $0xffff  }
0x1ac: {  	v51 =	vld.idx.msk [tilespmem:v42+s16+$0x0], $0xffff;
	v52 =	vmul.f32 v41, v39;
	v4 =	vadd.f32 v48, v4  }
0x1ad: {  	v3 =	vor.u32 $0x1F, v3;
	v53 =	vld.idx.msk [tilespmem:v42+s17+$0x0], $0xffff  }
0x1ae: {  	v54 =	vld.idx.msk [tilespmem:v46+s16+$0x0], $0xffff;
	v55 =	vmul.f32 v45, v43;
	v4 =	vadd.f32 v52, v4  }
0x1af: {  	v56 =	vld.idx.msk [tilespmem:v46+s17+$0x0], $0xffff  }
0x1b0: {  	v57 =	vld.idx.msk [tilespmem:v50+s16+$0x0], $0xffff;
	v58 =	vmul.f32 v49, v47;
	v4 =	vadd.f32 v55, v4  }
0x1b1: {  	v59 =	vld.idx.msk [tilespmem:v50+s17+$0x0], $0xffff  }
0x1b2: {  	v61 =	vmul.f32 v53, v51;
	v60 =	vld.idx.msk [tilespmem:v3+s16+$0x0], $0xffff;
	v4 =	vadd.f32 v58, v4  }
0x1b3: {  	v3 =	vld.idx.msk [tilespmem:v3+s17+$0x0], $0xffff  }
0x1b4: {  	v62 =	vmul.f32 v56, v54;
	v4 =	vadd.f32 v61, v4;
	_ =	sdelay $0x1  }
0x1b5: {  	v63 =	vmul.f32 v59, v57;
	v4 =	vadd.f32 v62, v4;
	_ =	sdelay $0x1  }
0x1b6: {  	v3 =	vmul.f32 v3, v60;
	v4 =	vadd.f32 v63, v4;
	_ =	sdelay $0x1  }
0x1b7: {  	v3 =	vadd.f32 v3, v4;
	_ =	sdelay $0x1  }
0x1b8: {  	v2 =	vadd.f32 v3, v2;
	_ =	sdelay $0x1  }
0x1b9: {  	v2 =	vmul.f32 $-2.000000000e+00, v2;
	_ =	sdelay $0x1  }
0x1ba: {  	v2 =	vmul.f32 $1.442695020e+00, v2;
	_ =	sdelay $0x1  }
0x1bb: {  	(erf) = vpow2.f32 v2;
	_ =	sdelay $0x8  }
0x1bc: {  	v2 =	vpop (erf)  }
0x1bd: {  	v2 =	vadd.f32 $1.000000000e+00, v2;
	_ =	sdelay $0x1  }
0x1be: {  	(erf) = vrcp.f32 v2;
	_ =	sdelay $0x8  }
0x1bf: {  	v2 =	vpop (erf)  }
0x1c0: {  	s26 =	sadd.s32 $0x1, s26;
	v2 =	vmul.f32 $5.000000000e+00, v2  }
0x1c1: {  	s5 =	sadd.s32 $0x10, s29;
	p0 =	sne.s32 s26, s11  }
.Ltmp1:
0x1c2: {  	[tilespmem:s5+$0x0] =	vst v2;
	(pc) =	sbr.rel @p0 .LBB2_1-.Ltmp1, $4  }
0x1c3: {  	[hbm4b:s10+s4] =	stream.linear.scatter [tilespmem:s24], [sflag:$0x2], $0x200, $0x38;
	[tilespmem:$0x8A10] =	vst v63  }
0x1c4: {  	_ =	swait.ge [sflag:s12], $0x200  }
0x1c5: {  	[sflag:s12] =	ssyncset.done $0x0  }
0x1c6: {  	[sflag:s12] =	ssyncadd.s32 $0xFFFFFE00  }
0x1c7: {  	_ =	sfence.sel $0x180000  }
0x1c8: {  	[bflag:$0x0] =	sbarrier.arrive $0xFFFF  }
0x1c9: {  	_ =	strace $0x90000047  }
0x1ca: {  	s0 =	stileid.u32;
	[bflag:$0x2] =	sbarrier.arrive $0xFFFF  }
0x1cb: {  	p0 =	sne.s32 s0, $0x0;
	s0 =	rddreg [dreg:$0x7]  }
0x1cc: {  	s0 =	sadd.s32 @!p0 $0x100000, s0  }
0x1cd: {  	[sflag:s0] =	ssyncadd.tile.s32 @!p0 $0x1;
	_ =	shalt  }
.Lfunc_end2:
_tile_overlayer_lowered:
.L_overlay_start_2:
0x1ce: {  	(tag) =	ssettag $0x2  }
0x1cf: {  	s0 =	rddreg [dreg:$0x0];
	s2 =	stileid.u32  }
0x1d0: {  	s1 =	rddreg [dreg:$0x1];
	p0 =	sne.s32 s2, $0x0  }
0x1d1: {  	s3 =	rddreg [dreg:$0x2];
	[bflag:$0x3] =	sbarrier.arrive $0xFFFF;
	s2 =	simm.s32 @!p0 $0x1C02  }
0x1d2: {  	[timem:s3], [sflag:s2] =	dma.local @!p0 [hbm:s0], s1  }
0x1d3: {  	s0 =	simm.s32 @!p0 $0x2  }
0x1d4: {  	_ =	swait.ge @!p0 [sflag:s0], s1  }
0x1d5: {  	s1 =	ssub.s32 @!p0 $0x0, s1;
	[sflag:s0] =	ssyncset.done @!p0 $0x0  }
0x1d6: {  	[sflag:s0] =	ssyncadd.s32 @!p0 s1  }
0x1d7: {  	[bflag:$0x3] =	sbarrier.arrive $0xFFFF  }
0x1d8: {  	_ =	shalt  }

</sc_bundles>
